<compile_context>
chip_gen: v7x
topology: tpu7x:2x2x1
jax: 0.10.2.dev20260603
libtpu: 0.0.44.dev20260713+nightly
codegen_flags: <defaults>
</compile_context>

<pallas_src>
import functools

import jax
import jax.numpy as jnp
from jax import lax
from jax.experimental import pallas as pl
from jax.experimental.pallas import tpu as pltpu
from jax.experimental.pallas import tpu_sc as plsc

_B = 4
_S = 2048
_D = 128

_info = plsc.get_sparse_core_info()
_NC = _info.num_cores
_NS = _info.num_subcores
_NW = _NC * _NS
_SPW = _S // _NW
_LANES = 16
_CHUNKS = _D // _LANES


def _body(x_hbm, tok_hbm, pos_hbm, out_hbm, idx_v, rows_v, pos_v,
          psem, isem, gsem, wsem):
    wid = lax.axis_index("s") * _NC + lax.axis_index("c")
    s0 = wid * _SPW


    ihandles = [
        pltpu.async_copy(x_hbm.at[b, pl.ds(s0, _SPW)], idx_v.at[b], isem)
        for b in range(_B)
    ]
    ph = pltpu.async_copy(pos_hbm.at[pl.ds(s0, _SPW)], pos_v, psem)
    for h in ihandles:
        h.wait()

    ghandles = [
        pltpu.async_copy(tok_hbm.at[idx_v.at[b]], rows_v.at[b], gsem)
        for b in range(_B)
    ]
    ph.wait()

    for h in ghandles:
        h.wait()

    half = _SPW // 2
    whandles = []
    for p in range(2):
        @plsc.parallel_loop(p * half, (p + 1) * half, unroll=2)
        def _add_row(r):
            for c in range(_CHUNKS):
                sl = pl.ds(c * _LANES, _LANES)
                pv = pos_v[r, sl]
                for b in range(_B):
                    plsc.addupdate(rows_v.at[b, r, sl], pv)

        for b in range(_B):
            whandles.append(
                pltpu.async_copy(
                    rows_v.at[b, pl.ds(p * half, half)],
                    out_hbm.at[b, pl.ds(s0 + p * half, half)],
                    wsem,
                )
            )
    for h in whandles:
        h.wait()


@jax.jit
def _embed(x, token_table, pos_table):
    mesh = plsc.VectorSubcoreMesh(core_axis_name="c", subcore_axis_name="s")
    k = functools.partial(
        pl.kernel,
        mesh=mesh,
        out_type=jax.ShapeDtypeStruct((_B, _S, _D), jnp.float32),
        scratch_types=[
            pltpu.VMEM((_B, _SPW), jnp.int32),
            pltpu.VMEM((_B, _SPW, _D), jnp.float32),
            pltpu.VMEM((_SPW, _D), jnp.float32),
            pltpu.SemaphoreType.DMA,
            pltpu.SemaphoreType.DMA,
            pltpu.SemaphoreType.DMA,
            pltpu.SemaphoreType.DMA,
        ],
    )(_body)
    return k(x, token_table, pos_table)


def kernel(x, token_table, pos_table):
    return _embed(x.astype(jnp.int32), token_table, pos_table)

# --- scband reference (transcript-rebuilt; emitter-appended) ---
"""Pipeline reference for scband-token-and-position-embedding-90323162235629 (READ-ONLY COPY).

The authoritative reference and input builder live on the scoring server;
editing this copy changes nothing except your own understanding.
"""

import jax, jax.numpy as jnp
import numpy as np

VOCAB = 100000
BLOCK = 2048
N_EMBD = 128
B = 4
S = 2048

def setup_inputs(seed: int = 0) -> dict:
    key = jax.random.key(seed)
    k1, k2, k3 = jax.random.split(key, 3)
    x = jax.random.randint(k1, (B, S), 0, VOCAB, dtype=jnp.int64 if jax.config.jax_enable_x64 else jnp.int32)
    token_table = jax.random.normal(k2, (VOCAB, N_EMBD), dtype=jnp.float32) * 0.02
    pos_table = jax.random.normal(k3, (BLOCK, N_EMBD), dtype=jnp.float32) * 0.02
    return {"x": x, "token_table": token_table, "pos_table": pos_table}

def reference(x, token_table, pos_table):
    if x.shape[-1] > pos_table.shape[0]:
        raise ValueError(f"Input sequence length {x.shape[-1]} exceeds maximum {pos_table.shape[0]}")
    seq_len = x.shape[1]
    positions = jnp.arange(seq_len)[None, :]
    tok = jnp.take(token_table, x, axis=0)          # [B, S, n_embd] gather
    pos = jnp.take(pos_table, positions, axis=0)     # [1, S, n_embd] gather
    return tok + pos

if __name__ == "__main__":
    import jax
    _d = setup_inputs()
    print(jax.jit(kernel)(*tuple(_d.values())))

</pallas_src>

<mosaic_0001>
#map = affine_map<(d0, d1) -> (0, 0)>
#map1 = affine_map<(d0, d1) -> (0, 0, 0)>
module attributes {stable_mosaic.version = 14 : i64} {
  func.func @_body(%arg0: i32, %arg1: i32, %arg2: memref<4x2048xi32, #tpu.memory_space<hbm>>, %arg3: memref<100000x128xf32, #tpu.memory_space<hbm>>, %arg4: memref<2048x128xf32, #tpu.memory_space<hbm>>, %arg5: memref<4x2048x128xf32, #tpu.memory_space<hbm>>, %arg6: memref<4x64xi32, #tpu.memory_space<vmem>>, %arg7: memref<4x64x128xf32, #tpu.memory_space<vmem>>, %arg8: memref<64x128xf32, #tpu.memory_space<vmem>>, %arg9: memref<!tpu.dma_semaphore, #tpu.memory_space<semaphore_mem>>, %arg10: memref<!tpu.dma_semaphore, #tpu.memory_space<semaphore_mem>>, %arg11: memref<!tpu.dma_semaphore, #tpu.memory_space<semaphore_mem>>, %arg12: memref<!tpu.dma_semaphore, #tpu.memory_space<semaphore_mem>>) attributes {dimension_semantics = [#tpu.dimension_semantics<core_parallel>, #tpu.dimension_semantics<subcore_parallel>], iteration_bounds = array<i64: 2, 16>, scalar_prefetch = 0 : i64, scratch_operands = 7 : i64, tpu.core_type = #tpu.core_type<sc_vector_subcore>, window_params = [{transform_indices = #map}, {transform_indices = #map}, {transform_indices = #map}, {transform_indices = #map1}]} {
    %mul3A = arith.constant 2 : i32
    %mul3A_0 = arith.muli %arg1, %mul3A : i32
    %add3A = arith.addi %mul3A_0, %arg0 : i32
    %mul3A_1 = arith.constant 64 : i32
    %mul3A_2 = arith.muli %add3A, %mul3A_1 : i32
    %dma_start3A = arith.constant 0 : i32
    %dma_start3A_3 = arith.constant 0 : i32
    %dma_start3A_4 = arith.constant 0 : i32
    %dma_start3A_5 = tpu.memref_slice %arg6[%dma_start3A_3, %dma_start3A_4] : memref<4x64xi32, #tpu.memory_space<vmem>> -> memref<1x64xi32, #tpu.memory_space<vmem>>
    %dma_start3A_6 = tpu.memref_squeeze %dma_start3A_5 : memref<1x64xi32, #tpu.memory_space<vmem>> -> memref<64xi32, #tpu.memory_space<vmem>>
    %dma_start3A_7 = tpu.memref_slice %arg2[%dma_start3A, %mul3A_2] : memref<4x2048xi32, #tpu.memory_space<hbm>> -> memref<1x64xi32, #tpu.memory_space<hbm>>
    %dma_start3A_8 = tpu.memref_squeeze %dma_start3A_7 : memref<1x64xi32, #tpu.memory_space<hbm>> -> memref<64xi32, #tpu.memory_space<hbm>>
    %dma_start3A_9 = arith.constant 0 : i32
    %dma_start3A_10 = tpu.memref_slice %arg6[%dma_start3A_3, %dma_start3A_9] : memref<4x64xi32, #tpu.memory_space<vmem>> -> memref<1x64xi32, #tpu.memory_space<vmem>>
    %dma_start3A_11 = tpu.memref_squeeze %dma_start3A_10 : memref<1x64xi32, #tpu.memory_space<vmem>> -> memref<64xi32, #tpu.memory_space<vmem>>
    %dma_start3A_12 = tpu.memref_slice %arg2[%dma_start3A, %mul3A_2] : memref<4x2048xi32, #tpu.memory_space<hbm>> -> memref<1x64xi32, #tpu.memory_space<hbm>>
    %dma_start3A_13 = tpu.memref_squeeze %dma_start3A_12 : memref<1x64xi32, #tpu.memory_space<hbm>> -> memref<64xi32, #tpu.memory_space<hbm>>
    tpu.enqueue_dma source(%dma_start3A_13 : memref<64xi32, #tpu.memory_space<hbm>>) target(%dma_start3A_11 : memref<64xi32, #tpu.memory_space<vmem>>) target_semaphore(%arg10 : memref<!tpu.dma_semaphore, #tpu.memory_space<semaphore_mem>>)
    %dma_start3A_14 = arith.constant 1 : i32
    %dma_start3A_15 = arith.constant 1 : i32
    %dma_start3A_16 = arith.constant 0 : i32
    %dma_start3A_17 = tpu.memref_slice %arg6[%dma_start3A_15, %dma_start3A_16] : memref<4x64xi32, #tpu.memory_space<vmem>> -> memref<1x64xi32, #tpu.memory_space<vmem>>
    %dma_start3A_18 = tpu.memref_squeeze %dma_start3A_17 : memref<1x64xi32, #tpu.memory_space<vmem>> -> memref<64xi32, #tpu.memory_space<vmem>>
    %dma_start3A_19 = tpu.memref_slice %arg2[%dma_start3A_14, %mul3A_2] : memref<4x2048xi32, #tpu.memory_space<hbm>> -> memref<1x64xi32, #tpu.memory_space<hbm>>
    %dma_start3A_20 = tpu.memref_squeeze %dma_start3A_19 : memref<1x64xi32, #tpu.memory_space<hbm>> -> memref<64xi32, #tpu.memory_space<hbm>>
    %dma_start3A_21 = arith.constant 0 : i32
    %dma_start3A_22 = tpu.memref_slice %arg6[%dma_start3A_15, %dma_start3A_21] : memref<4x64xi32, #tpu.memory_space<vmem>> -> memref<1x64xi32, #tpu.memory_space<vmem>>
    %dma_start3A_23 = tpu.memref_squeeze %dma_start3A_22 : memref<1x64xi32, #tpu.memory_space<vmem>> -> memref<64xi32, #tpu.memory_space<vmem>>
    %dma_start3A_24 = tpu.memref_slice %arg2[%dma_start3A_14, %mul3A_2] : memref<4x2048xi32, #tpu.memory_space<hbm>> -> memref<1x64xi32, #tpu.memory_space<hbm>>
    %dma_start3A_25 = tpu.memref_squeeze %dma_start3A_24 : memref<1x64xi32, #tpu.memory_space<hbm>> -> memref<64xi32, #tpu.memory_space<hbm>>
    tpu.enqueue_dma source(%dma_start3A_25 : memref<64xi32, #tpu.memory_space<hbm>>) target(%dma_start3A_23 : memref<64xi32, #tpu.memory_space<vmem>>) target_semaphore(%arg10 : memref<!tpu.dma_semaphore, #tpu.memory_space<semaphore_mem>>)
    %dma_start3A_26 = arith.constant 2 : i32
    %dma_start3A_27 = arith.constant 2 : i32
    %dma_start3A_28 = arith.constant 0 : i32
    %dma_start3A_29 = tpu.memref_slice %arg6[%dma_start3A_27, %dma_start3A_28] : memref<4x64xi32, #tpu.memory_space<vmem>> -> memref<1x64xi32, #tpu.memory_space<vmem>>
    %dma_start3A_30 = tpu.memref_squeeze %dma_start3A_29 : memref<1x64xi32, #tpu.memory_space<vmem>> -> memref<64xi32, #tpu.memory_space<vmem>>
    %dma_start3A_31 = tpu.memref_slice %arg2[%dma_start3A_26, %mul3A_2] : memref<4x2048xi32, #tpu.memory_space<hbm>> -> memref<1x64xi32, #tpu.memory_space<hbm>>
    %dma_start3A_32 = tpu.memref_squeeze %dma_start3A_31 : memref<1x64xi32, #tpu.memory_space<hbm>> -> memref<64xi32, #tpu.memory_space<hbm>>
    %dma_start3A_33 = arith.constant 0 : i32
    %dma_start3A_34 = tpu.memref_slice %arg6[%dma_start3A_27, %dma_start3A_33] : memref<4x64xi32, #tpu.memory_space<vmem>> -> memref<1x64xi32, #tpu.memory_space<vmem>>
    %dma_start3A_35 = tpu.memref_squeeze %dma_start3A_34 : memref<1x64xi32, #tpu.memory_space<vmem>> -> memref<64xi32, #tpu.memory_space<vmem>>
    %dma_start3A_36 = tpu.memref_slice %arg2[%dma_start3A_26, %mul3A_2] : memref<4x2048xi32, #tpu.memory_space<hbm>> -> memref<1x64xi32, #tpu.memory_space<hbm>>
    %dma_start3A_37 = tpu.memref_squeeze %dma_start3A_36 : memref<1x64xi32, #tpu.memory_space<hbm>> -> memref<64xi32, #tpu.memory_space<hbm>>
    tpu.enqueue_dma source(%dma_start3A_37 : memref<64xi32, #tpu.memory_space<hbm>>) target(%dma_start3A_35 : memref<64xi32, #tpu.memory_space<vmem>>) target_semaphore(%arg10 : memref<!tpu.dma_semaphore, #tpu.memory_space<semaphore_mem>>)
    %dma_start3A_38 = arith.constant 3 : i32
    %dma_start3A_39 = arith.constant 3 : i32
    %dma_start3A_40 = arith.constant 0 : i32
    %dma_start3A_41 = tpu.memref_slice %arg6[%dma_start3A_39, %dma_start3A_40] : memref<4x64xi32, #tpu.memory_space<vmem>> -> memref<1x64xi32, #tpu.memory_space<vmem>>
    %dma_start3A_42 = tpu.memref_squeeze %dma_start3A_41 : memref<1x64xi32, #tpu.memory_space<vmem>> -> memref<64xi32, #tpu.memory_space<vmem>>
    %dma_start3A_43 = tpu.memref_slice %arg2[%dma_start3A_38, %mul3A_2] : memref<4x2048xi32, #tpu.memory_space<hbm>> -> memref<1x64xi32, #tpu.memory_space<hbm>>
    %dma_start3A_44 = tpu.memref_squeeze %dma_start3A_43 : memref<1x64xi32, #tpu.memory_space<hbm>> -> memref<64xi32, #tpu.memory_space<hbm>>
    %dma_start3A_45 = arith.constant 0 : i32
    %dma_start3A_46 = tpu.memref_slice %arg6[%dma_start3A_39, %dma_start3A_45] : memref<4x64xi32, #tpu.memory_space<vmem>> -> memref<1x64xi32, #tpu.memory_space<vmem>>
    %dma_start3A_47 = tpu.memref_squeeze %dma_start3A_46 : memref<1x64xi32, #tpu.memory_space<vmem>> -> memref<64xi32, #tpu.memory_space<vmem>>
    %dma_start3A_48 = tpu.memref_slice %arg2[%dma_start3A_38, %mul3A_2] : memref<4x2048xi32, #tpu.memory_space<hbm>> -> memref<1x64xi32, #tpu.memory_space<hbm>>
    %dma_start3A_49 = tpu.memref_squeeze %dma_start3A_48 : memref<1x64xi32, #tpu.memory_space<hbm>> -> memref<64xi32, #tpu.memory_space<hbm>>
    tpu.enqueue_dma source(%dma_start3A_49 : memref<64xi32, #tpu.memory_space<hbm>>) target(%dma_start3A_47 : memref<64xi32, #tpu.memory_space<vmem>>) target_semaphore(%arg10 : memref<!tpu.dma_semaphore, #tpu.memory_space<semaphore_mem>>)
    %dma_start3A_50 = arith.constant 0 : i32
    %dma_start3A_51 = tpu.memref_slice %arg4[%mul3A_2, %dma_start3A_50] : memref<2048x128xf32, #tpu.memory_space<hbm>> -> memref<64x128xf32, #tpu.memory_space<hbm>>
    %dma_start3A_52 = arith.constant 0 : i32
    %dma_start3A_53 = tpu.memref_slice %arg4[%mul3A_2, %dma_start3A_52] : memref<2048x128xf32, #tpu.memory_space<hbm>> -> memref<64x128xf32, #tpu.memory_space<hbm>>
    tpu.enqueue_dma source(%dma_start3A_53 : memref<64x128xf32, #tpu.memory_space<hbm>>) target(%arg8 : memref<64x128xf32, #tpu.memory_space<vmem>>) target_semaphore(%arg9 : memref<!tpu.dma_semaphore, #tpu.memory_space<semaphore_mem>>)
    %dma_wait3A = arith.constant 0 : i32
    %dma_wait3A_54 = arith.constant 0 : i32
    %dma_wait3A_55 = arith.constant 0 : i32
    %dma_wait3A_56 = tpu.memref_slice %arg6[%dma_wait3A_54, %dma_wait3A_55] : memref<4x64xi32, #tpu.memory_space<vmem>> -> memref<1x64xi32, #tpu.memory_space<vmem>>
    %dma_wait3A_57 = tpu.memref_squeeze %dma_wait3A_56 : memref<1x64xi32, #tpu.memory_space<vmem>> -> memref<64xi32, #tpu.memory_space<vmem>>
    %dma_wait3A_58 = tpu.memref_slice %arg2[%dma_wait3A, %mul3A_2] : memref<4x2048xi32, #tpu.memory_space<hbm>> -> memref<1x64xi32, #tpu.memory_space<hbm>>
    %dma_wait3A_59 = tpu.memref_squeeze %dma_wait3A_58 : memref<1x64xi32, #tpu.memory_space<hbm>> -> memref<64xi32, #tpu.memory_space<hbm>>
    %dma_wait3A_60 = arith.constant 0 : i32
    %dma_wait3A_61 = tpu.memref_slice %arg6[%dma_wait3A_54, %dma_wait3A_60] : memref<4x64xi32, #tpu.memory_space<vmem>> -> memref<1x64xi32, #tpu.memory_space<vmem>>
    %dma_wait3A_62 = tpu.memref_squeeze %dma_wait3A_61 : memref<1x64xi32, #tpu.memory_space<vmem>> -> memref<64xi32, #tpu.memory_space<vmem>>
    %dma_wait3A_63 = tpu.memref_slice %arg2[%dma_wait3A, %mul3A_2] : memref<4x2048xi32, #tpu.memory_space<hbm>> -> memref<1x64xi32, #tpu.memory_space<hbm>>
    %dma_wait3A_64 = tpu.memref_squeeze %dma_wait3A_63 : memref<1x64xi32, #tpu.memory_space<hbm>> -> memref<64xi32, #tpu.memory_space<hbm>>
    tpu.wait_dma2 semaphore(%arg10 : memref<!tpu.dma_semaphore, #tpu.memory_space<semaphore_mem>>) src(%dma_wait3A_64 : memref<64xi32, #tpu.memory_space<hbm>>) dst(%dma_wait3A_62 : memref<64xi32, #tpu.memory_space<vmem>>)
    %dma_wait3A_65 = arith.constant 1 : i32
    %dma_wait3A_66 = arith.constant 1 : i32
    %dma_wait3A_67 = arith.constant 0 : i32
    %dma_wait3A_68 = tpu.memref_slice %arg6[%dma_wait3A_66, %dma_wait3A_67] : memref<4x64xi32, #tpu.memory_space<vmem>> -> memref<1x64xi32, #tpu.memory_space<vmem>>
    %dma_wait3A_69 = tpu.memref_squeeze %dma_wait3A_68 : memref<1x64xi32, #tpu.memory_space<vmem>> -> memref<64xi32, #tpu.memory_space<vmem>>
    %dma_wait3A_70 = tpu.memref_slice %arg2[%dma_wait3A_65, %mul3A_2] : memref<4x2048xi32, #tpu.memory_space<hbm>> -> memref<1x64xi32, #tpu.memory_space<hbm>>
    %dma_wait3A_71 = tpu.memref_squeeze %dma_wait3A_70 : memref<1x64xi32, #tpu.memory_space<hbm>> -> memref<64xi32, #tpu.memory_space<hbm>>
    %dma_wait3A_72 = arith.constant 0 : i32
    %dma_wait3A_73 = tpu.memref_slice %arg6[%dma_wait3A_66, %dma_wait3A_72] : memref<4x64xi32, #tpu.memory_space<vmem>> -> memref<1x64xi32, #tpu.memory_space<vmem>>
    %dma_wait3A_74 = tpu.memref_squeeze %dma_wait3A_73 : memref<1x64xi32, #tpu.memory_space<vmem>> -> memref<64xi32, #tpu.memory_space<vmem>>
    %dma_wait3A_75 = tpu.memref_slice %arg2[%dma_wait3A_65, %mul3A_2] : memref<4x2048xi32, #tpu.memory_space<hbm>> -> memref<1x64xi32, #tpu.memory_space<hbm>>
    %dma_wait3A_76 = tpu.memref_squeeze %dma_wait3A_75 : memref<1x64xi32, #tpu.memory_space<hbm>> -> memref<64xi32, #tpu.memory_space<hbm>>
    tpu.wait_dma2 semaphore(%arg10 : memref<!tpu.dma_semaphore, #tpu.memory_space<semaphore_mem>>) src(%dma_wait3A_76 : memref<64xi32, #tpu.memory_space<hbm>>) dst(%dma_wait3A_74 : memref<64xi32, #tpu.memory_space<vmem>>)
    %dma_wait3A_77 = arith.constant 2 : i32
    %dma_wait3A_78 = arith.constant 2 : i32
    %dma_wait3A_79 = arith.constant 0 : i32
    %dma_wait3A_80 = tpu.memref_slice %arg6[%dma_wait3A_78, %dma_wait3A_79] : memref<4x64xi32, #tpu.memory_space<vmem>> -> memref<1x64xi32, #tpu.memory_space<vmem>>
    %dma_wait3A_81 = tpu.memref_squeeze %dma_wait3A_80 : memref<1x64xi32, #tpu.memory_space<vmem>> -> memref<64xi32, #tpu.memory_space<vmem>>
    %dma_wait3A_82 = tpu.memref_slice %arg2[%dma_wait3A_77, %mul3A_2] : memref<4x2048xi32, #tpu.memory_space<hbm>> -> memref<1x64xi32, #tpu.memory_space<hbm>>
    %dma_wait3A_83 = tpu.memref_squeeze %dma_wait3A_82 : memref<1x64xi32, #tpu.memory_space<hbm>> -> memref<64xi32, #tpu.memory_space<hbm>>
    %dma_wait3A_84 = arith.constant 0 : i32
    %dma_wait3A_85 = tpu.memref_slice %arg6[%dma_wait3A_78, %dma_wait3A_84] : memref<4x64xi32, #tpu.memory_space<vmem>> -> memref<1x64xi32, #tpu.memory_space<vmem>>
    %dma_wait3A_86 = tpu.memref_squeeze %dma_wait3A_85 : memref<1x64xi32, #tpu.memory_space<vmem>> -> memref<64xi32, #tpu.memory_space<vmem>>
    %dma_wait3A_87 = tpu.memref_slice %arg2[%dma_wait3A_77, %mul3A_2] : memref<4x2048xi32, #tpu.memory_space<hbm>> -> memref<1x64xi32, #tpu.memory_space<hbm>>
    %dma_wait3A_88 = tpu.memref_squeeze %dma_wait3A_87 : memref<1x64xi32, #tpu.memory_space<hbm>> -> memref<64xi32, #tpu.memory_space<hbm>>
    tpu.wait_dma2 semaphore(%arg10 : memref<!tpu.dma_semaphore, #tpu.memory_space<semaphore_mem>>) src(%dma_wait3A_88 : memref<64xi32, #tpu.memory_space<hbm>>) dst(%dma_wait3A_86 : memref<64xi32, #tpu.memory_space<vmem>>)
    %dma_wait3A_89 = arith.constant 3 : i32
    %dma_wait3A_90 = arith.constant 3 : i32
    %dma_wait3A_91 = arith.constant 0 : i32
    %dma_wait3A_92 = tpu.memref_slice %arg6[%dma_wait3A_90, %dma_wait3A_91] : memref<4x64xi32, #tpu.memory_space<vmem>> -> memref<1x64xi32, #tpu.memory_space<vmem>>
    %dma_wait3A_93 = tpu.memref_squeeze %dma_wait3A_92 : memref<1x64xi32, #tpu.memory_space<vmem>> -> memref<64xi32, #tpu.memory_space<vmem>>
    %dma_wait3A_94 = tpu.memref_slice %arg2[%dma_wait3A_89, %mul3A_2] : memref<4x2048xi32, #tpu.memory_space<hbm>> -> memref<1x64xi32, #tpu.memory_space<hbm>>
    %dma_wait3A_95 = tpu.memref_squeeze %dma_wait3A_94 : memref<1x64xi32, #tpu.memory_space<hbm>> -> memref<64xi32, #tpu.memory_space<hbm>>
    %dma_wait3A_96 = arith.constant 0 : i32
    %dma_wait3A_97 = tpu.memref_slice %arg6[%dma_wait3A_90, %dma_wait3A_96] : memref<4x64xi32, #tpu.memory_space<vmem>> -> memref<1x64xi32, #tpu.memory_space<vmem>>
    %dma_wait3A_98 = tpu.memref_squeeze %dma_wait3A_97 : memref<1x64xi32, #tpu.memory_space<vmem>> -> memref<64xi32, #tpu.memory_space<vmem>>
    %dma_wait3A_99 = tpu.memref_slice %arg2[%dma_wait3A_89, %mul3A_2] : memref<4x2048xi32, #tpu.memory_space<hbm>> -> memref<1x64xi32, #tpu.memory_space<hbm>>
    %dma_wait3A_100 = tpu.memref_squeeze %dma_wait3A_99 : memref<1x64xi32, #tpu.memory_space<hbm>> -> memref<64xi32, #tpu.memory_space<hbm>>
    tpu.wait_dma2 semaphore(%arg10 : memref<!tpu.dma_semaphore, #tpu.memory_space<semaphore_mem>>) src(%dma_wait3A_100 : memref<64xi32, #tpu.memory_space<hbm>>) dst(%dma_wait3A_98 : memref<64xi32, #tpu.memory_space<vmem>>)
    %dma_start3A_101 = arith.constant 0 : i32
    %dma_start3A_102 = arith.constant 0 : i32
    %dma_start3A_103 = arith.constant 0 : i32
    %dma_start3A_104 = arith.constant 0 : i32
    %dma_start3A_105 = tpu.memref_slice %arg7[%dma_start3A_102, %dma_start3A_103, %dma_start3A_104] : memref<4x64x128xf32, #tpu.memory_space<vmem>> -> memref<1x64x128xf32, #tpu.memory_space<vmem>>
    %dma_start3A_106 = tpu.memref_squeeze %dma_start3A_105 : memref<1x64x128xf32, #tpu.memory_space<vmem>> -> memref<64x128xf32, #tpu.memory_space<vmem>>
    %dma_start3A_107 = arith.constant 0 : i32
    %dma_start3A_108 = tpu.memref_slice %arg6[%dma_start3A_101, %dma_start3A_107] : memref<4x64xi32, #tpu.memory_space<vmem>> -> memref<1x64xi32, #tpu.memory_space<vmem>>
    %dma_start3A_109 = tpu.memref_squeeze %dma_start3A_108 : memref<1x64xi32, #tpu.memory_space<vmem>> -> memref<64xi32, #tpu.memory_space<vmem>>
    %dma_start3A_110 = arith.constant 0 : i32
    %dma_start3A_111 = arith.constant 0 : i32
    %dma_start3A_112 = tpu.memref_slice %arg3[%dma_start3A_110, %dma_start3A_111] : memref<100000x128xf32, #tpu.memory_space<hbm>> -> memref<100000x128xf32, #tpu.memory_space<hbm>>
    tpu.enqueue_indirect_dma source(%dma_start3A_112 : memref<100000x128xf32, #tpu.memory_space<hbm>>) target(%dma_start3A_106 : memref<64x128xf32, #tpu.memory_space<vmem>>) offsets(%dma_start3A_109 : memref<64xi32, #tpu.memory_space<vmem>>) semaphore(%arg11 : memref<!tpu.dma_semaphore, #tpu.memory_space<semaphore_mem>>)
    %dma_start3A_113 = arith.constant 1 : i32
    %dma_start3A_114 = arith.constant 1 : i32
    %dma_start3A_115 = arith.constant 0 : i32
    %dma_start3A_116 = arith.constant 0 : i32
    %dma_start3A_117 = tpu.memref_slice %arg7[%dma_start3A_114, %dma_start3A_115, %dma_start3A_116] : memref<4x64x128xf32, #tpu.memory_space<vmem>> -> memref<1x64x128xf32, #tpu.memory_space<vmem>>
    %dma_start3A_118 = tpu.memref_squeeze %dma_start3A_117 : memref<1x64x128xf32, #tpu.memory_space<vmem>> -> memref<64x128xf32, #tpu.memory_space<vmem>>
    %dma_start3A_119 = arith.constant 0 : i32
    %dma_start3A_120 = tpu.memref_slice %arg6[%dma_start3A_113, %dma_start3A_119] : memref<4x64xi32, #tpu.memory_space<vmem>> -> memref<1x64xi32, #tpu.memory_space<vmem>>
    %dma_start3A_121 = tpu.memref_squeeze %dma_start3A_120 : memref<1x64xi32, #tpu.memory_space<vmem>> -> memref<64xi32, #tpu.memory_space<vmem>>
    %dma_start3A_122 = arith.constant 0 : i32
    %dma_start3A_123 = arith.constant 0 : i32
    %dma_start3A_124 = tpu.memref_slice %arg3[%dma_start3A_122, %dma_start3A_123] : memref<100000x128xf32, #tpu.memory_space<hbm>> -> memref<100000x128xf32, #tpu.memory_space<hbm>>
    tpu.enqueue_indirect_dma source(%dma_start3A_124 : memref<100000x128xf32, #tpu.memory_space<hbm>>) target(%dma_start3A_118 : memref<64x128xf32, #tpu.memory_space<vmem>>) offsets(%dma_start3A_121 : memref<64xi32, #tpu.memory_space<vmem>>) semaphore(%arg11 : memref<!tpu.dma_semaphore, #tpu.memory_space<semaphore_mem>>)
    %dma_start3A_125 = arith.constant 2 : i32
    %dma_start3A_126 = arith.constant 2 : i32
    %dma_start3A_127 = arith.constant 0 : i32
    %dma_start3A_128 = arith.constant 0 : i32
    %dma_start3A_129 = tpu.memref_slice %arg7[%dma_start3A_126, %dma_start3A_127, %dma_start3A_128] : memref<4x64x128xf32, #tpu.memory_space<vmem>> -> memref<1x64x128xf32, #tpu.memory_space<vmem>>
    %dma_start3A_130 = tpu.memref_squeeze %dma_start3A_129 : memref<1x64x128xf32, #tpu.memory_space<vmem>> -> memref<64x128xf32, #tpu.memory_space<vmem>>
    %dma_start3A_131 = arith.constant 0 : i32
    %dma_start3A_132 = tpu.memref_slice %arg6[%dma_start3A_125, %dma_start3A_131] : memref<4x64xi32, #tpu.memory_space<vmem>> -> memref<1x64xi32, #tpu.memory_space<vmem>>
    %dma_start3A_133 = tpu.memref_squeeze %dma_start3A_132 : memref<1x64xi32, #tpu.memory_space<vmem>> -> memref<64xi32, #tpu.memory_space<vmem>>
    %dma_start3A_134 = arith.constant 0 : i32
    %dma_start3A_135 = arith.constant 0 : i32
    %dma_start3A_136 = tpu.memref_slice %arg3[%dma_start3A_134, %dma_start3A_135] : memref<100000x128xf32, #tpu.memory_space<hbm>> -> memref<100000x128xf32, #tpu.memory_space<hbm>>
    tpu.enqueue_indirect_dma source(%dma_start3A_136 : memref<100000x128xf32, #tpu.memory_space<hbm>>) target(%dma_start3A_130 : memref<64x128xf32, #tpu.memory_space<vmem>>) offsets(%dma_start3A_133 : memref<64xi32, #tpu.memory_space<vmem>>) semaphore(%arg11 : memref<!tpu.dma_semaphore, #tpu.memory_space<semaphore_mem>>)
    %dma_start3A_137 = arith.constant 3 : i32
    %dma_start3A_138 = arith.constant 3 : i32
    %dma_start3A_139 = arith.constant 0 : i32
    %dma_start3A_140 = arith.constant 0 : i32
    %dma_start3A_141 = tpu.memref_slice %arg7[%dma_start3A_138, %dma_start3A_139, %dma_start3A_140] : memref<4x64x128xf32, #tpu.memory_space<vmem>> -> memref<1x64x128xf32, #tpu.memory_space<vmem>>
    %dma_start3A_142 = tpu.memref_squeeze %dma_start3A_141 : memref<1x64x128xf32, #tpu.memory_space<vmem>> -> memref<64x128xf32, #tpu.memory_space<vmem>>
    %dma_start3A_143 = arith.constant 0 : i32
    %dma_start3A_144 = tpu.memref_slice %arg6[%dma_start3A_137, %dma_start3A_143] : memref<4x64xi32, #tpu.memory_space<vmem>> -> memref<1x64xi32, #tpu.memory_space<vmem>>
    %dma_start3A_145 = tpu.memref_squeeze %dma_start3A_144 : memref<1x64xi32, #tpu.memory_space<vmem>> -> memref<64xi32, #tpu.memory_space<vmem>>
    %dma_start3A_146 = arith.constant 0 : i32
    %dma_start3A_147 = arith.constant 0 : i32
    %dma_start3A_148 = tpu.memref_slice %arg3[%dma_start3A_146, %dma_start3A_147] : memref<100000x128xf32, #tpu.memory_space<hbm>> -> memref<100000x128xf32, #tpu.memory_space<hbm>>
    tpu.enqueue_indirect_dma source(%dma_start3A_148 : memref<100000x128xf32, #tpu.memory_space<hbm>>) target(%dma_start3A_142 : memref<64x128xf32, #tpu.memory_space<vmem>>) offsets(%dma_start3A_145 : memref<64xi32, #tpu.memory_space<vmem>>) semaphore(%arg11 : memref<!tpu.dma_semaphore, #tpu.memory_space<semaphore_mem>>)
    %dma_wait3A_149 = arith.constant 0 : i32
    %dma_wait3A_150 = tpu.memref_slice %arg4[%mul3A_2, %dma_wait3A_149] : memref<2048x128xf32, #tpu.memory_space<hbm>> -> memref<64x128xf32, #tpu.memory_space<hbm>>
    %dma_wait3A_151 = arith.constant 0 : i32
    %dma_wait3A_152 = tpu.memref_slice %arg4[%mul3A_2, %dma_wait3A_151] : memref<2048x128xf32, #tpu.memory_space<hbm>> -> memref<64x128xf32, #tpu.memory_space<hbm>>
    tpu.wait_dma2 semaphore(%arg9 : memref<!tpu.dma_semaphore, #tpu.memory_space<semaphore_mem>>) src(%dma_wait3A_152 : memref<64x128xf32, #tpu.memory_space<hbm>>) dst(%arg8 : memref<64x128xf32, #tpu.memory_space<vmem>>)
    %dma_wait3A_153 = arith.constant 0 : i32
    %dma_wait3A_154 = arith.constant 0 : i32
    %dma_wait3A_155 = arith.constant 0 : i32
    %dma_wait3A_156 = arith.constant 0 : i32
    %dma_wait3A_157 = tpu.memref_slice %arg7[%dma_wait3A_154, %dma_wait3A_155, %dma_wait3A_156] : memref<4x64x128xf32, #tpu.memory_space<vmem>> -> memref<1x64x128xf32, #tpu.memory_space<vmem>>
    %dma_wait3A_158 = tpu.memref_squeeze %dma_wait3A_157 : memref<1x64x128xf32, #tpu.memory_space<vmem>> -> memref<64x128xf32, #tpu.memory_space<vmem>>
    %dma_wait3A_159 = arith.constant 0 : i32
    %dma_wait3A_160 = tpu.memref_slice %arg6[%dma_wait3A_153, %dma_wait3A_159] : memref<4x64xi32, #tpu.memory_space<vmem>> -> memref<1x64xi32, #tpu.memory_space<vmem>>
    %dma_wait3A_161 = tpu.memref_squeeze %dma_wait3A_160 : memref<1x64xi32, #tpu.memory_space<vmem>> -> memref<64xi32, #tpu.memory_space<vmem>>
    %dma_wait3A_162 = arith.constant 0 : i32
    %dma_wait3A_163 = arith.constant 0 : i32
    %dma_wait3A_164 = tpu.memref_slice %arg3[%dma_wait3A_162, %dma_wait3A_163] : memref<100000x128xf32, #tpu.memory_space<hbm>> -> memref<100000x128xf32, #tpu.memory_space<hbm>>
    tpu.wait_indirect_dma semaphore(%arg11 : memref<!tpu.dma_semaphore, #tpu.memory_space<semaphore_mem>>) src(%dma_wait3A_164 : memref<100000x128xf32, #tpu.memory_space<hbm>>) dst(%dma_wait3A_158 : memref<64x128xf32, #tpu.memory_space<vmem>>)
    %dma_wait3A_165 = arith.constant 1 : i32
    %dma_wait3A_166 = arith.constant 1 : i32
    %dma_wait3A_167 = arith.constant 0 : i32
    %dma_wait3A_168 = arith.constant 0 : i32
    %dma_wait3A_169 = tpu.memref_slice %arg7[%dma_wait3A_166, %dma_wait3A_167, %dma_wait3A_168] : memref<4x64x128xf32, #tpu.memory_space<vmem>> -> memref<1x64x128xf32, #tpu.memory_space<vmem>>
    %dma_wait3A_170 = tpu.memref_squeeze %dma_wait3A_169 : memref<1x64x128xf32, #tpu.memory_space<vmem>> -> memref<64x128xf32, #tpu.memory_space<vmem>>
    %dma_wait3A_171 = arith.constant 0 : i32
    %dma_wait3A_172 = tpu.memref_slice %arg6[%dma_wait3A_165, %dma_wait3A_171] : memref<4x64xi32, #tpu.memory_space<vmem>> -> memref<1x64xi32, #tpu.memory_space<vmem>>
    %dma_wait3A_173 = tpu.memref_squeeze %dma_wait3A_172 : memref<1x64xi32, #tpu.memory_space<vmem>> -> memref<64xi32, #tpu.memory_space<vmem>>
    %dma_wait3A_174 = arith.constant 0 : i32
    %dma_wait3A_175 = arith.constant 0 : i32
    %dma_wait3A_176 = tpu.memref_slice %arg3[%dma_wait3A_174, %dma_wait3A_175] : memref<100000x128xf32, #tpu.memory_space<hbm>> -> memref<100000x128xf32, #tpu.memory_space<hbm>>
    tpu.wait_indirect_dma semaphore(%arg11 : memref<!tpu.dma_semaphore, #tpu.memory_space<semaphore_mem>>) src(%dma_wait3A_176 : memref<100000x128xf32, #tpu.memory_space<hbm>>) dst(%dma_wait3A_170 : memref<64x128xf32, #tpu.memory_space<vmem>>)
    %dma_wait3A_177 = arith.constant 2 : i32
    %dma_wait3A_178 = arith.constant 2 : i32
    %dma_wait3A_179 = arith.constant 0 : i32
    %dma_wait3A_180 = arith.constant 0 : i32
    %dma_wait3A_181 = tpu.memref_slice %arg7[%dma_wait3A_178, %dma_wait3A_179, %dma_wait3A_180] : memref<4x64x128xf32, #tpu.memory_space<vmem>> -> memref<1x64x128xf32, #tpu.memory_space<vmem>>
    %dma_wait3A_182 = tpu.memref_squeeze %dma_wait3A_181 : memref<1x64x128xf32, #tpu.memory_space<vmem>> -> memref<64x128xf32, #tpu.memory_space<vmem>>
    %dma_wait3A_183 = arith.constant 0 : i32
    %dma_wait3A_184 = tpu.memref_slice %arg6[%dma_wait3A_177, %dma_wait3A_183] : memref<4x64xi32, #tpu.memory_space<vmem>> -> memref<1x64xi32, #tpu.memory_space<vmem>>
    %dma_wait3A_185 = tpu.memref_squeeze %dma_wait3A_184 : memref<1x64xi32, #tpu.memory_space<vmem>> -> memref<64xi32, #tpu.memory_space<vmem>>
    %dma_wait3A_186 = arith.constant 0 : i32
    %dma_wait3A_187 = arith.constant 0 : i32
    %dma_wait3A_188 = tpu.memref_slice %arg3[%dma_wait3A_186, %dma_wait3A_187] : memref<100000x128xf32, #tpu.memory_space<hbm>> -> memref<100000x128xf32, #tpu.memory_space<hbm>>
    tpu.wait_indirect_dma semaphore(%arg11 : memref<!tpu.dma_semaphore, #tpu.memory_space<semaphore_mem>>) src(%dma_wait3A_188 : memref<100000x128xf32, #tpu.memory_space<hbm>>) dst(%dma_wait3A_182 : memref<64x128xf32, #tpu.memory_space<vmem>>)
    %dma_wait3A_189 = arith.constant 3 : i32
    %dma_wait3A_190 = arith.constant 3 : i32
    %dma_wait3A_191 = arith.constant 0 : i32
    %dma_wait3A_192 = arith.constant 0 : i32
    %dma_wait3A_193 = tpu.memref_slice %arg7[%dma_wait3A_190, %dma_wait3A_191, %dma_wait3A_192] : memref<4x64x128xf32, #tpu.memory_space<vmem>> -> memref<1x64x128xf32, #tpu.memory_space<vmem>>
    %dma_wait3A_194 = tpu.memref_squeeze %dma_wait3A_193 : memref<1x64x128xf32, #tpu.memory_space<vmem>> -> memref<64x128xf32, #tpu.memory_space<vmem>>
    %dma_wait3A_195 = arith.constant 0 : i32
    %dma_wait3A_196 = tpu.memref_slice %arg6[%dma_wait3A_189, %dma_wait3A_195] : memref<4x64xi32, #tpu.memory_space<vmem>> -> memref<1x64xi32, #tpu.memory_space<vmem>>
    %dma_wait3A_197 = tpu.memref_squeeze %dma_wait3A_196 : memref<1x64xi32, #tpu.memory_space<vmem>> -> memref<64xi32, #tpu.memory_space<vmem>>
    %dma_wait3A_198 = arith.constant 0 : i32
    %dma_wait3A_199 = arith.constant 0 : i32
    %dma_wait3A_200 = tpu.memref_slice %arg3[%dma_wait3A_198, %dma_wait3A_199] : memref<100000x128xf32, #tpu.memory_space<hbm>> -> memref<100000x128xf32, #tpu.memory_space<hbm>>
    tpu.wait_indirect_dma semaphore(%arg11 : memref<!tpu.dma_semaphore, #tpu.memory_space<semaphore_mem>>) src(%dma_wait3A_200 : memref<100000x128xf32, #tpu.memory_space<hbm>>) dst(%dma_wait3A_194 : memref<64x128xf32, #tpu.memory_space<vmem>>)
    %parallel_loop3A = arith.constant 0 : i32
    %parallel_loop3A_201 = arith.constant 32 : i32
    %parallel_loop3A_202 = arith.constant 1 : i32
    scf.for %parallel_loop3A_478 = %parallel_loop3A to %parallel_loop3A_201 step %parallel_loop3A_202  : i32 {
      %parallel_loop3A_479 = arith.index_cast %parallel_loop3A_478 : i32 to index
      %parallel_loop3A_480 = arith.constant 0 : index
      %parallel_loop3A_481 = tpu.vector_load %arg8[%parallel_loop3A_479, %parallel_loop3A_480] {strides = array<i32>} : memref<64x128xf32, #tpu.memory_space<vmem>>, vector<1x16xf32>,
      %parallel_loop3A_482 = vector.shape_cast %parallel_loop3A_481 : vector<1x16xf32> to vector<16xf32>
      %parallel_loop3A_483 = arith.constant 0 : i32
      %parallel_loop3A_484 = arith.index_cast %parallel_loop3A_483 : i32 to index
      %parallel_loop3A_485 = arith.index_cast %parallel_loop3A_478 : i32 to index
      %parallel_loop3A_486 = arith.constant 0 : index
      %parallel_loop3A_487 = tpu.vector_load %arg7[%parallel_loop3A_484, %parallel_loop3A_485, %parallel_loop3A_486] {strides = array<i32>} : memref<4x64x128xf32, #tpu.memory_space<vmem>>, vector<1x1x16xf32>,
      %parallel_loop3A_488 = vector.shape_cast %parallel_loop3A_487 : vector<1x1x16xf32> to vector<16xf32>
      %parallel_loop3A_489 = vector.shape_cast %parallel_loop3A_482 : vector<16xf32> to vector<1x1x16xf32>
      tpu.vector_store %arg7[%parallel_loop3A_484, %parallel_loop3A_485, %parallel_loop3A_486], %parallel_loop3A_489 {add = true, strides = array<i32>} : memref<4x64x128xf32, #tpu.memory_space<vmem>>, vector<1x1x16xf32>,
      %parallel_loop3A_490 = arith.constant 1 : i32
      %parallel_loop3A_491 = arith.index_cast %parallel_loop3A_490 : i32 to index
      %parallel_loop3A_492 = arith.index_cast %parallel_loop3A_478 : i32 to index
      %parallel_loop3A_493 = arith.constant 0 : index
      %parallel_loop3A_494 = tpu.vector_load %arg7[%parallel_loop3A_491, %parallel_loop3A_492, %parallel_loop3A_493] {strides = array<i32>} : memref<4x64x128xf32, #tpu.memory_space<vmem>>, vector<1x1x16xf32>,
      %parallel_loop3A_495 = vector.shape_cast %parallel_loop3A_494 : vector<1x1x16xf32> to vector<16xf32>
      %parallel_loop3A_496 = vector.shape_cast %parallel_loop3A_482 : vector<16xf32> to vector<1x1x16xf32>
      tpu.vector_store %arg7[%parallel_loop3A_491, %parallel_loop3A_492, %parallel_loop3A_493], %parallel_loop3A_496 {add = true, strides = array<i32>} : memref<4x64x128xf32, #tpu.memory_space<vmem>>, vector<1x1x16xf32>,
      %parallel_loop3A_497 = arith.constant 2 : i32
      %parallel_loop3A_498 = arith.index_cast %parallel_loop3A_497 : i32 to index
      %parallel_loop3A_499 = arith.index_cast %parallel_loop3A_478 : i32 to index
      %parallel_loop3A_500 = arith.constant 0 : index
      %parallel_loop3A_501 = tpu.vector_load %arg7[%parallel_loop3A_498, %parallel_loop3A_499, %parallel_loop3A_500] {strides = array<i32>} : memref<4x64x128xf32, #tpu.memory_space<vmem>>, vector<1x1x16xf32>,
      %parallel_loop3A_502 = vector.shape_cast %parallel_loop3A_501 : vector<1x1x16xf32> to vector<16xf32>
      %parallel_loop3A_503 = vector.shape_cast %parallel_loop3A_482 : vector<16xf32> to vector<1x1x16xf32>
      tpu.vector_store %arg7[%parallel_loop3A_498, %parallel_loop3A_499, %parallel_loop3A_500], %parallel_loop3A_503 {add = true, strides = array<i32>} : memref<4x64x128xf32, #tpu.memory_space<vmem>>, vector<1x1x16xf32>,
      %parallel_loop3A_504 = arith.constant 3 : i32
      %parallel_loop3A_505 = arith.index_cast %parallel_loop3A_504 : i32 to index
      %parallel_loop3A_506 = arith.index_cast %parallel_loop3A_478 : i32 to index
      %parallel_loop3A_507 = arith.constant 0 : index
      %parallel_loop3A_508 = tpu.vector_load %arg7[%parallel_loop3A_505, %parallel_loop3A_506, %parallel_loop3A_507] {strides = array<i32>} : memref<4x64x128xf32, #tpu.memory_space<vmem>>, vector<1x1x16xf32>,
      %parallel_loop3A_509 = vector.shape_cast %parallel_loop3A_508 : vector<1x1x16xf32> to vector<16xf32>
      %parallel_loop3A_510 = vector.shape_cast %parallel_loop3A_482 : vector<16xf32> to vector<1x1x16xf32>
      tpu.vector_store %arg7[%parallel_loop3A_505, %parallel_loop3A_506, %parallel_loop3A_507], %parallel_loop3A_510 {add = true, strides = array<i32>} : memref<4x64x128xf32, #tpu.memory_space<vmem>>, vector<1x1x16xf32>,
      %parallel_loop3A_511 = arith.index_cast %parallel_loop3A_478 : i32 to index
      %parallel_loop3A_512 = arith.constant 16 : index
      %parallel_loop3A_513 = tpu.vector_load %arg8[%parallel_loop3A_511, %parallel_loop3A_512] {strides = array<i32>} : memref<64x128xf32, #tpu.memory_space<vmem>>, vector<1x16xf32>,
      %parallel_loop3A_514 = vector.shape_cast %parallel_loop3A_513 : vector<1x16xf32> to vector<16xf32>
      %parallel_loop3A_515 = arith.constant 0 : i32
      %parallel_loop3A_516 = arith.index_cast %parallel_loop3A_515 : i32 to index
      %parallel_loop3A_517 = arith.index_cast %parallel_loop3A_478 : i32 to index
      %parallel_loop3A_518 = arith.constant 16 : index
      %parallel_loop3A_519 = tpu.vector_load %arg7[%parallel_loop3A_516, %parallel_loop3A_517, %parallel_loop3A_518] {strides = array<i32>} : memref<4x64x128xf32, #tpu.memory_space<vmem>>, vector<1x1x16xf32>,
      %parallel_loop3A_520 = vector.shape_cast %parallel_loop3A_519 : vector<1x1x16xf32> to vector<16xf32>
      %parallel_loop3A_521 = vector.shape_cast %parallel_loop3A_514 : vector<16xf32> to vector<1x1x16xf32>
      tpu.vector_store %arg7[%parallel_loop3A_516, %parallel_loop3A_517, %parallel_loop3A_518], %parallel_loop3A_521 {add = true, strides = array<i32>} : memref<4x64x128xf32, #tpu.memory_space<vmem>>, vector<1x1x16xf32>,
      %parallel_loop3A_522 = arith.constant 1 : i32
      %parallel_loop3A_523 = arith.index_cast %parallel_loop3A_522 : i32 to index
      %parallel_loop3A_524 = arith.index_cast %parallel_loop3A_478 : i32 to index
      %parallel_loop3A_525 = arith.constant 16 : index
      %parallel_loop3A_526 = tpu.vector_load %arg7[%parallel_loop3A_523, %parallel_loop3A_524, %parallel_loop3A_525] {strides = array<i32>} : memref<4x64x128xf32, #tpu.memory_space<vmem>>, vector<1x1x16xf32>,
      %parallel_loop3A_527 = vector.shape_cast %parallel_loop3A_526 : vector<1x1x16xf32> to vector<16xf32>
      %parallel_loop3A_528 = vector.shape_cast %parallel_loop3A_514 : vector<16xf32> to vector<1x1x16xf32>
      tpu.vector_store %arg7[%parallel_loop3A_523, %parallel_loop3A_524, %parallel_loop3A_525], %parallel_loop3A_528 {add = true, strides = array<i32>} : memref<4x64x128xf32, #tpu.memory_space<vmem>>, vector<1x1x16xf32>,
      %parallel_loop3A_529 = arith.constant 2 : i32
      %parallel_loop3A_530 = arith.index_cast %parallel_loop3A_529 : i32 to index
      %parallel_loop3A_531 = arith.index_cast %parallel_loop3A_478 : i32 to index
      %parallel_loop3A_532 = arith.constant 16 : index
      %parallel_loop3A_533 = tpu.vector_load %arg7[%parallel_loop3A_530, %parallel_loop3A_531, %parallel_loop3A_532] {strides = array<i32>} : memref<4x64x128xf32, #tpu.memory_space<vmem>>, vector<1x1x16xf32>,
      %parallel_loop3A_534 = vector.shape_cast %parallel_loop3A_533 : vector<1x1x16xf32> to vector<16xf32>
      %parallel_loop3A_535 = vector.shape_cast %parallel_loop3A_514 : vector<16xf32> to vector<1x1x16xf32>
      tpu.vector_store %arg7[%parallel_loop3A_530, %parallel_loop3A_531, %parallel_loop3A_532], %parallel_loop3A_535 {add = true, strides = array<i32>} : memref<4x64x128xf32, #tpu.memory_space<vmem>>, vector<1x1x16xf32>,
      %parallel_loop3A_536 = arith.constant 3 : i32
      %parallel_loop3A_537 = arith.index_cast %parallel_loop3A_536 : i32 to index
      %parallel_loop3A_538 = arith.index_cast %parallel_loop3A_478 : i32 to index
      %parallel_loop3A_539 = arith.constant 16 : index
      %parallel_loop3A_540 = tpu.vector_load %arg7[%parallel_loop3A_537, %parallel_loop3A_538, %parallel_loop3A_539] {strides = array<i32>} : memref<4x64x128xf32, #tpu.memory_space<vmem>>, vector<1x1x16xf32>,
      %parallel_loop3A_541 = vector.shape_cast %parallel_loop3A_540 : vector<1x1x16xf32> to vector<16xf32>
      %parallel_loop3A_542 = vector.shape_cast %parallel_loop3A_514 : vector<16xf32> to vector<1x1x16xf32>
      tpu.vector_store %arg7[%parallel_loop3A_537, %parallel_loop3A_538, %parallel_loop3A_539], %parallel_loop3A_542 {add = true, strides = array<i32>} : memref<4x64x128xf32, #tpu.memory_space<vmem>>, vector<1x1x16xf32>,
      %parallel_loop3A_543 = arith.index_cast %parallel_loop3A_478 : i32 to index
      %parallel_loop3A_544 = arith.constant 32 : index
      %parallel_loop3A_545 = tpu.vector_load %arg8[%parallel_loop3A_543, %parallel_loop3A_544] {strides = array<i32>} : memref<64x128xf32, #tpu.memory_space<vmem>>, vector<1x16xf32>,
      %parallel_loop3A_546 = vector.shape_cast %parallel_loop3A_545 : vector<1x16xf32> to vector<16xf32>
      %parallel_loop3A_547 = arith.constant 0 : i32
      %parallel_loop3A_548 = arith.index_cast %parallel_loop3A_547 : i32 to index
      %parallel_loop3A_549 = arith.index_cast %parallel_loop3A_478 : i32 to index
      %parallel_loop3A_550 = arith.constant 32 : index
      %parallel_loop3A_551 = tpu.vector_load %arg7[%parallel_loop3A_548, %parallel_loop3A_549, %parallel_loop3A_550] {strides = array<i32>} : memref<4x64x128xf32, #tpu.memory_space<vmem>>, vector<1x1x16xf32>,
      %parallel_loop3A_552 = vector.shape_cast %parallel_loop3A_551 : vector<1x1x16xf32> to vector<16xf32>
      %parallel_loop3A_553 = vector.shape_cast %parallel_loop3A_546 : vector<16xf32> to vector<1x1x16xf32>
      tpu.vector_store %arg7[%parallel_loop3A_548, %parallel_loop3A_549, %parallel_loop3A_550], %parallel_loop3A_553 {add = true, strides = array<i32>} : memref<4x64x128xf32, #tpu.memory_space<vmem>>, vector<1x1x16xf32>,
      %parallel_loop3A_554 = arith.constant 1 : i32
      %parallel_loop3A_555 = arith.index_cast %parallel_loop3A_554 : i32 to index
      %parallel_loop3A_556 = arith.index_cast %parallel_loop3A_478 : i32 to index
      %parallel_loop3A_557 = arith.constant 32 : index
      %parallel_loop3A_558 = tpu.vector_load %arg7[%parallel_loop3A_555, %parallel_loop3A_556, %parallel_loop3A_557] {strides = array<i32>} : memref<4x64x128xf32, #tpu.memory_space<vmem>>, vector<1x1x16xf32>,
      %parallel_loop3A_559 = vector.shape_cast %parallel_loop3A_558 : vector<1x1x16xf32> to vector<16xf32>
      %parallel_loop3A_560 = vector.shape_cast %parallel_loop3A_546 : vector<16xf32> to vector<1x1x16xf32>
      tpu.vector_store %arg7[%parallel_loop3A_555, %parallel_loop3A_556, %parallel_loop3A_557], %parallel_loop3A_560 {add = true, strides = array<i32>} : memref<4x64x128xf32, #tpu.memory_space<vmem>>, vector<1x1x16xf32>,
      %parallel_loop3A_561 = arith.constant 2 : i32
      %parallel_loop3A_562 = arith.index_cast %parallel_loop3A_561 : i32 to index
      %parallel_loop3A_563 = arith.index_cast %parallel_loop3A_478 : i32 to index
      %parallel_loop3A_564 = arith.constant 32 : index
      %parallel_loop3A_565 = tpu.vector_load %arg7[%parallel_loop3A_562, %parallel_loop3A_563, %parallel_loop3A_564] {strides = array<i32>} : memref<4x64x128xf32, #tpu.memory_space<vmem>>, vector<1x1x16xf32>,
      %parallel_loop3A_566 = vector.shape_cast %parallel_loop3A_565 : vector<1x1x16xf32> to vector<16xf32>
      %parallel_loop3A_567 = vector.shape_cast %parallel_loop3A_546 : vector<16xf32> to vector<1x1x16xf32>
      tpu.vector_store %arg7[%parallel_loop3A_562, %parallel_loop3A_563, %parallel_loop3A_564], %parallel_loop3A_567 {add = true, strides = array<i32>} : memref<4x64x128xf32, #tpu.memory_space<vmem>>, vector<1x1x16xf32>,
      %parallel_loop3A_568 = arith.constant 3 : i32
      %parallel_loop3A_569 = arith.index_cast %parallel_loop3A_568 : i32 to index
      %parallel_loop3A_570 = arith.index_cast %parallel_loop3A_478 : i32 to index
      %parallel_loop3A_571 = arith.constant 32 : index
      %parallel_loop3A_572 = tpu.vector_load %arg7[%parallel_loop3A_569, %parallel_loop3A_570, %parallel_loop3A_571] {strides = array<i32>} : memref<4x64x128xf32, #tpu.memory_space<vmem>>, vector<1x1x16xf32>,
      %parallel_loop3A_573 = vector.shape_cast %parallel_loop3A_572 : vector<1x1x16xf32> to vector<16xf32>
      %parallel_loop3A_574 = vector.shape_cast %parallel_loop3A_546 : vector<16xf32> to vector<1x1x16xf32>
      tpu.vector_store %arg7[%parallel_loop3A_569, %parallel_loop3A_570, %parallel_loop3A_571], %parallel_loop3A_574 {add = true, strides = array<i32>} : memref<4x64x128xf32, #tpu.memory_space<vmem>>, vector<1x1x16xf32>,
      %parallel_loop3A_575 = arith.index_cast %parallel_loop3A_478 : i32 to index
      %parallel_loop3A_576 = arith.constant 48 : index
      %parallel_loop3A_577 = tpu.vector_load %arg8[%parallel_loop3A_575, %parallel_loop3A_576] {strides = array<i32>} : memref<64x128xf32, #tpu.memory_space<vmem>>, vector<1x16xf32>,
      %parallel_loop3A_578 = vector.shape_cast %parallel_loop3A_577 : vector<1x16xf32> to vector<16xf32>
      %parallel_loop3A_579 = arith.constant 0 : i32
      %parallel_loop3A_580 = arith.index_cast %parallel_loop3A_579 : i32 to index
      %parallel_loop3A_581 = arith.index_cast %parallel_loop3A_478 : i32 to index
      %parallel_loop3A_582 = arith.constant 48 : index
      %parallel_loop3A_583 = tpu.vector_load %arg7[%parallel_loop3A_580, %parallel_loop3A_581, %parallel_loop3A_582] {strides = array<i32>} : memref<4x64x128xf32, #tpu.memory_space<vmem>>, vector<1x1x16xf32>,
      %parallel_loop3A_584 = vector.shape_cast %parallel_loop3A_583 : vector<1x1x16xf32> to vector<16xf32>
      %parallel_loop3A_585 = vector.shape_cast %parallel_loop3A_578 : vector<16xf32> to vector<1x1x16xf32>
      tpu.vector_store %arg7[%parallel_loop3A_580, %parallel_loop3A_581, %parallel_loop3A_582], %parallel_loop3A_585 {add = true, strides = array<i32>} : memref<4x64x128xf32, #tpu.memory_space<vmem>>, vector<1x1x16xf32>,
      %parallel_loop3A_586 = arith.constant 1 : i32
      %parallel_loop3A_587 = arith.index_cast %parallel_loop3A_586 : i32 to index
      %parallel_loop3A_588 = arith.index_cast %parallel_loop3A_478 : i32 to index
      %parallel_loop3A_589 = arith.constant 48 : index
      %parallel_loop3A_590 = tpu.vector_load %arg7[%parallel_loop3A_587, %parallel_loop3A_588, %parallel_loop3A_589] {strides = array<i32>} : memref<4x64x128xf32, #tpu.memory_space<vmem>>, vector<1x1x16xf32>,
      %parallel_loop3A_591 = vector.shape_cast %parallel_loop3A_590 : vector<1x1x16xf32> to vector<16xf32>
      %parallel_loop3A_592 = vector.shape_cast %parallel_loop3A_578 : vector<16xf32> to vector<1x1x16xf32>
      tpu.vector_store %arg7[%parallel_loop3A_587, %parallel_loop3A_588, %parallel_loop3A_589], %parallel_loop3A_592 {add = true, strides = array<i32>} : memref<4x64x128xf32, #tpu.memory_space<vmem>>, vector<1x1x16xf32>,
      %parallel_loop3A_593 = arith.constant 2 : i32
      %parallel_loop3A_594 = arith.index_cast %parallel_loop3A_593 : i32 to index
      %parallel_loop3A_595 = arith.index_cast %parallel_loop3A_478 : i32 to index
      %parallel_loop3A_596 = arith.constant 48 : index
      %parallel_loop3A_597 = tpu.vector_load %arg7[%parallel_loop3A_594, %parallel_loop3A_595, %parallel_loop3A_596] {strides = array<i32>} : memref<4x64x128xf32, #tpu.memory_space<vmem>>, vector<1x1x16xf32>,
      %parallel_loop3A_598 = vector.shape_cast %parallel_loop3A_597 : vector<1x1x16xf32> to vector<16xf32>
      %parallel_loop3A_599 = vector.shape_cast %parallel_loop3A_578 : vector<16xf32> to vector<1x1x16xf32>
      tpu.vector_store %arg7[%parallel_loop3A_594, %parallel_loop3A_595, %parallel_loop3A_596], %parallel_loop3A_599 {add = true, strides = array<i32>} : memref<4x64x128xf32, #tpu.memory_space<vmem>>, vector<1x1x16xf32>,
      %parallel_loop3A_600 = arith.constant 3 : i32
      %parallel_loop3A_601 = arith.index_cast %parallel_loop3A_600 : i32 to index
      %parallel_loop3A_602 = arith.index_cast %parallel_loop3A_478 : i32 to index
      %parallel_loop3A_603 = arith.constant 48 : index
      %parallel_loop3A_604 = tpu.vector_load %arg7[%parallel_loop3A_601, %parallel_loop3A_602, %parallel_loop3A_603] {strides = array<i32>} : memref<4x64x128xf32, #tpu.memory_space<vmem>>, vector<1x1x16xf32>,
      %parallel_loop3A_605 = vector.shape_cast %parallel_loop3A_604 : vector<1x1x16xf32> to vector<16xf32>
      %parallel_loop3A_606 = vector.shape_cast %parallel_loop3A_578 : vector<16xf32> to vector<1x1x16xf32>
      tpu.vector_store %arg7[%parallel_loop3A_601, %parallel_loop3A_602, %parallel_loop3A_603], %parallel_loop3A_606 {add = true, strides = array<i32>} : memref<4x64x128xf32, #tpu.memory_space<vmem>>, vector<1x1x16xf32>,
      %parallel_loop3A_607 = arith.index_cast %parallel_loop3A_478 : i32 to index
      %parallel_loop3A_608 = arith.constant 64 : index
      %parallel_loop3A_609 = tpu.vector_load %arg8[%parallel_loop3A_607, %parallel_loop3A_608] {strides = array<i32>} : memref<64x128xf32, #tpu.memory_space<vmem>>, vector<1x16xf32>,
      %parallel_loop3A_610 = vector.shape_cast %parallel_loop3A_609 : vector<1x16xf32> to vector<16xf32>
      %parallel_loop3A_611 = arith.constant 0 : i32
      %parallel_loop3A_612 = arith.index_cast %parallel_loop3A_611 : i32 to index
      %parallel_loop3A_613 = arith.index_cast %parallel_loop3A_478 : i32 to index
      %parallel_loop3A_614 = arith.constant 64 : index
      %parallel_loop3A_615 = tpu.vector_load %arg7[%parallel_loop3A_612, %parallel_loop3A_613, %parallel_loop3A_614] {strides = array<i32>} : memref<4x64x128xf32, #tpu.memory_space<vmem>>, vector<1x1x16xf32>,
      %parallel_loop3A_616 = vector.shape_cast %parallel_loop3A_615 : vector<1x1x16xf32> to vector<16xf32>
      %parallel_loop3A_617 = vector.shape_cast %parallel_loop3A_610 : vector<16xf32> to vector<1x1x16xf32>
      tpu.vector_store %arg7[%parallel_loop3A_612, %parallel_loop3A_613, %parallel_loop3A_614], %parallel_loop3A_617 {add = true, strides = array<i32>} : memref<4x64x128xf32, #tpu.memory_space<vmem>>, vector<1x1x16xf32>,
      %parallel_loop3A_618 = arith.constant 1 : i32
      %parallel_loop3A_619 = arith.index_cast %parallel_loop3A_618 : i32 to index
      %parallel_loop3A_620 = arith.index_cast %parallel_loop3A_478 : i32 to index
      %parallel_loop3A_621 = arith.constant 64 : index
      %parallel_loop3A_622 = tpu.vector_load %arg7[%parallel_loop3A_619, %parallel_loop3A_620, %parallel_loop3A_621] {strides = array<i32>} : memref<4x64x128xf32, #tpu.memory_space<vmem>>, vector<1x1x16xf32>,
      %parallel_loop3A_623 = vector.shape_cast %parallel_loop3A_622 : vector<1x1x16xf32> to vector<16xf32>
      %parallel_loop3A_624 = vector.shape_cast %parallel_loop3A_610 : vector<16xf32> to vector<1x1x16xf32>
      tpu.vector_store %arg7[%parallel_loop3A_619, %parallel_loop3A_620, %parallel_loop3A_621], %parallel_loop3A_624 {add = true, strides = array<i32>} : memref<4x64x128xf32, #tpu.memory_space<vmem>>, vector<1x1x16xf32>,
      %parallel_loop3A_625 = arith.constant 2 : i32
      %parallel_loop3A_626 = arith.index_cast %parallel_loop3A_625 : i32 to index
      %parallel_loop3A_627 = arith.index_cast %parallel_loop3A_478 : i32 to index
      %parallel_loop3A_628 = arith.constant 64 : index
      %parallel_loop3A_629 = tpu.vector_load %arg7[%parallel_loop3A_626, %parallel_loop3A_627, %parallel_loop3A_628] {strides = array<i32>} : memref<4x64x128xf32, #tpu.memory_space<vmem>>, vector<1x1x16xf32>,
      %parallel_loop3A_630 = vector.shape_cast %parallel_loop3A_629 : vector<1x1x16xf32> to vector<16xf32>
      %parallel_loop3A_631 = vector.shape_cast %parallel_loop3A_610 : vector<16xf32> to vector<1x1x16xf32>
      tpu.vector_store %arg7[%parallel_loop3A_626, %parallel_loop3A_627, %parallel_loop3A_628], %parallel_loop3A_631 {add = true, strides = array<i32>} : memref<4x64x128xf32, #tpu.memory_space<vmem>>, vector<1x1x16xf32>,
      %parallel_loop3A_632 = arith.constant 3 : i32
      %parallel_loop3A_633 = arith.index_cast %parallel_loop3A_632 : i32 to index
      %parallel_loop3A_634 = arith.index_cast %parallel_loop3A_478 : i32 to index
      %parallel_loop3A_635 = arith.constant 64 : index
      %parallel_loop3A_636 = tpu.vector_load %arg7[%parallel_loop3A_633, %parallel_loop3A_634, %parallel_loop3A_635] {strides = array<i32>} : memref<4x64x128xf32, #tpu.memory_space<vmem>>, vector<1x1x16xf32>,
      %parallel_loop3A_637 = vector.shape_cast %parallel_loop3A_636 : vector<1x1x16xf32> to vector<16xf32>
      %parallel_loop3A_638 = vector.shape_cast %parallel_loop3A_610 : vector<16xf32> to vector<1x1x16xf32>
      tpu.vector_store %arg7[%parallel_loop3A_633, %parallel_loop3A_634, %parallel_loop3A_635], %parallel_loop3A_638 {add = true, strides = array<i32>} : memref<4x64x128xf32, #tpu.memory_space<vmem>>, vector<1x1x16xf32>,
      %parallel_loop3A_639 = arith.index_cast %parallel_loop3A_478 : i32 to index
      %parallel_loop3A_640 = arith.constant 80 : index
      %parallel_loop3A_641 = tpu.vector_load %arg8[%parallel_loop3A_639, %parallel_loop3A_640] {strides = array<i32>} : memref<64x128xf32, #tpu.memory_space<vmem>>, vector<1x16xf32>,
      %parallel_loop3A_642 = vector.shape_cast %parallel_loop3A_641 : vector<1x16xf32> to vector<16xf32>
      %parallel_loop3A_643 = arith.constant 0 : i32
      %parallel_loop3A_644 = arith.index_cast %parallel_loop3A_643 : i32 to index
      %parallel_loop3A_645 = arith.index_cast %parallel_loop3A_478 : i32 to index
      %parallel_loop3A_646 = arith.constant 80 : index
      %parallel_loop3A_647 = tpu.vector_load %arg7[%parallel_loop3A_644, %parallel_loop3A_645, %parallel_loop3A_646] {strides = array<i32>} : memref<4x64x128xf32, #tpu.memory_space<vmem>>, vector<1x1x16xf32>,
      %parallel_loop3A_648 = vector.shape_cast %parallel_loop3A_647 : vector<1x1x16xf32> to vector<16xf32>
      %parallel_loop3A_649 = vector.shape_cast %parallel_loop3A_642 : vector<16xf32> to vector<1x1x16xf32>
      tpu.vector_store %arg7[%parallel_loop3A_644, %parallel_loop3A_645, %parallel_loop3A_646], %parallel_loop3A_649 {add = true, strides = array<i32>} : memref<4x64x128xf32, #tpu.memory_space<vmem>>, vector<1x1x16xf32>,
      %parallel_loop3A_650 = arith.constant 1 : i32
      %parallel_loop3A_651 = arith.index_cast %parallel_loop3A_650 : i32 to index
      %parallel_loop3A_652 = arith.index_cast %parallel_loop3A_478 : i32 to index
      %parallel_loop3A_653 = arith.constant 80 : index
      %parallel_loop3A_654 = tpu.vector_load %arg7[%parallel_loop3A_651, %parallel_loop3A_652, %parallel_loop3A_653] {strides = array<i32>} : memref<4x64x128xf32, #tpu.memory_space<vmem>>, vector<1x1x16xf32>,
      %parallel_loop3A_655 = vector.shape_cast %parallel_loop3A_654 : vector<1x1x16xf32> to vector<16xf32>
      %parallel_loop3A_656 = vector.shape_cast %parallel_loop3A_642 : vector<16xf32> to vector<1x1x16xf32>
      tpu.vector_store %arg7[%parallel_loop3A_651, %parallel_loop3A_652, %parallel_loop3A_653], %parallel_loop3A_656 {add = true, strides = array<i32>} : memref<4x64x128xf32, #tpu.memory_space<vmem>>, vector<1x1x16xf32>,
      %parallel_loop3A_657 = arith.constant 2 : i32
      %parallel_loop3A_658 = arith.index_cast %parallel_loop3A_657 : i32 to index
      %parallel_loop3A_659 = arith.index_cast %parallel_loop3A_478 : i32 to index
      %parallel_loop3A_660 = arith.constant 80 : index
      %parallel_loop3A_661 = tpu.vector_load %arg7[%parallel_loop3A_658, %parallel_loop3A_659, %parallel_loop3A_660] {strides = array<i32>} : memref<4x64x128xf32, #tpu.memory_space<vmem>>, vector<1x1x16xf32>,
      %parallel_loop3A_662 = vector.shape_cast %parallel_loop3A_661 : vector<1x1x16xf32> to vector<16xf32>
      %parallel_loop3A_663 = vector.shape_cast %parallel_loop3A_642 : vector<16xf32> to vector<1x1x16xf32>
      tpu.vector_store %arg7[%parallel_loop3A_658, %parallel_loop3A_659, %parallel_loop3A_660], %parallel_loop3A_663 {add = true, strides = array<i32>} : memref<4x64x128xf32, #tpu.memory_space<vmem>>, vector<1x1x16xf32>,
      %parallel_loop3A_664 = arith.constant 3 : i32
      %parallel_loop3A_665 = arith.index_cast %parallel_loop3A_664 : i32 to index
      %parallel_loop3A_666 = arith.index_cast %parallel_loop3A_478 : i32 to index
      %parallel_loop3A_667 = arith.constant 80 : index
      %parallel_loop3A_668 = tpu.vector_load %arg7[%parallel_loop3A_665, %parallel_loop3A_666, %parallel_loop3A_667] {strides = array<i32>} : memref<4x64x128xf32, #tpu.memory_space<vmem>>, vector<1x1x16xf32>,
      %parallel_loop3A_669 = vector.shape_cast %parallel_loop3A_668 : vector<1x1x16xf32> to vector<16xf32>
      %parallel_loop3A_670 = vector.shape_cast %parallel_loop3A_642 : vector<16xf32> to vector<1x1x16xf32>
      tpu.vector_store %arg7[%parallel_loop3A_665, %parallel_loop3A_666, %parallel_loop3A_667], %parallel_loop3A_670 {add = true, strides = array<i32>} : memref<4x64x128xf32, #tpu.memory_space<vmem>>, vector<1x1x16xf32>,
      %parallel_loop3A_671 = arith.index_cast %parallel_loop3A_478 : i32 to index
      %parallel_loop3A_672 = arith.constant 96 : index
      %parallel_loop3A_673 = tpu.vector_load %arg8[%parallel_loop3A_671, %parallel_loop3A_672] {strides = array<i32>} : memref<64x128xf32, #tpu.memory_space<vmem>>, vector<1x16xf32>,
      %parallel_loop3A_674 = vector.shape_cast %parallel_loop3A_673 : vector<1x16xf32> to vector<16xf32>
      %parallel_loop3A_675 = arith.constant 0 : i32
      %parallel_loop3A_676 = arith.index_cast %parallel_loop3A_675 : i32 to index
      %parallel_loop3A_677 = arith.index_cast %parallel_loop3A_478 : i32 to index
      %parallel_loop3A_678 = arith.constant 96 : index
      %parallel_loop3A_679 = tpu.vector_load %arg7[%parallel_loop3A_676, %parallel_loop3A_677, %parallel_loop3A_678] {strides = array<i32>} : memref<4x64x128xf32, #tpu.memory_space<vmem>>, vector<1x1x16xf32>,
      %parallel_loop3A_680 = vector.shape_cast %parallel_loop3A_679 : vector<1x1x16xf32> to vector<16xf32>
      %parallel_loop3A_681 = vector.shape_cast %parallel_loop3A_674 : vector<16xf32> to vector<1x1x16xf32>
      tpu.vector_store %arg7[%parallel_loop3A_676, %parallel_loop3A_677, %parallel_loop3A_678], %parallel_loop3A_681 {add = true, strides = array<i32>} : memref<4x64x128xf32, #tpu.memory_space<vmem>>, vector<1x1x16xf32>,
      %parallel_loop3A_682 = arith.constant 1 : i32
      %parallel_loop3A_683 = arith.index_cast %parallel_loop3A_682 : i32 to index
      %parallel_loop3A_684 = arith.index_cast %parallel_loop3A_478 : i32 to index
      %parallel_loop3A_685 = arith.constant 96 : index
      %parallel_loop3A_686 = tpu.vector_load %arg7[%parallel_loop3A_683, %parallel_loop3A_684, %parallel_loop3A_685] {strides = array<i32>} : memref<4x64x128xf32, #tpu.memory_space<vmem>>, vector<1x1x16xf32>,
      %parallel_loop3A_687 = vector.shape_cast %parallel_loop3A_686 : vector<1x1x16xf32> to vector<16xf32>
      %parallel_loop3A_688 = vector.shape_cast %parallel_loop3A_674 : vector<16xf32> to vector<1x1x16xf32>
      tpu.vector_store %arg7[%parallel_loop3A_683, %parallel_loop3A_684, %parallel_loop3A_685], %parallel_loop3A_688 {add = true, strides = array<i32>} : memref<4x64x128xf32, #tpu.memory_space<vmem>>, vector<1x1x16xf32>,
      %parallel_loop3A_689 = arith.constant 2 : i32
      %parallel_loop3A_690 = arith.index_cast %parallel_loop3A_689 : i32 to index
      %parallel_loop3A_691 = arith.index_cast %parallel_loop3A_478 : i32 to index
      %parallel_loop3A_692 = arith.constant 96 : index
      %parallel_loop3A_693 = tpu.vector_load %arg7[%parallel_loop3A_690, %parallel_loop3A_691, %parallel_loop3A_692] {strides = array<i32>} : memref<4x64x128xf32, #tpu.memory_space<vmem>>, vector<1x1x16xf32>,
      %parallel_loop3A_694 = vector.shape_cast %parallel_loop3A_693 : vector<1x1x16xf32> to vector<16xf32>
      %parallel_loop3A_695 = vector.shape_cast %parallel_loop3A_674 : vector<16xf32> to vector<1x1x16xf32>
      tpu.vector_store %arg7[%parallel_loop3A_690, %parallel_loop3A_691, %parallel_loop3A_692], %parallel_loop3A_695 {add = true, strides = array<i32>} : memref<4x64x128xf32, #tpu.memory_space<vmem>>, vector<1x1x16xf32>,
      %parallel_loop3A_696 = arith.constant 3 : i32
      %parallel_loop3A_697 = arith.index_cast %parallel_loop3A_696 : i32 to index
      %parallel_loop3A_698 = arith.index_cast %parallel_loop3A_478 : i32 to index
      %parallel_loop3A_699 = arith.constant 96 : index
      %parallel_loop3A_700 = tpu.vector_load %arg7[%parallel_loop3A_697, %parallel_loop3A_698, %parallel_loop3A_699] {strides = array<i32>} : memref<4x64x128xf32, #tpu.memory_space<vmem>>, vector<1x1x16xf32>,
      %parallel_loop3A_701 = vector.shape_cast %parallel_loop3A_700 : vector<1x1x16xf32> to vector<16xf32>
      %parallel_loop3A_702 = vector.shape_cast %parallel_loop3A_674 : vector<16xf32> to vector<1x1x16xf32>
      tpu.vector_store %arg7[%parallel_loop3A_697, %parallel_loop3A_698, %parallel_loop3A_699], %parallel_loop3A_702 {add = true, strides = array<i32>} : memref<4x64x128xf32, #tpu.memory_space<vmem>>, vector<1x1x16xf32>,
      %parallel_loop3A_703 = arith.index_cast %parallel_loop3A_478 : i32 to index
      %parallel_loop3A_704 = arith.constant 112 : index
      %parallel_loop3A_705 = tpu.vector_load %arg8[%parallel_loop3A_703, %parallel_loop3A_704] {strides = array<i32>} : memref<64x128xf32, #tpu.memory_space<vmem>>, vector<1x16xf32>,
      %parallel_loop3A_706 = vector.shape_cast %parallel_loop3A_705 : vector<1x16xf32> to vector<16xf32>
      %parallel_loop3A_707 = arith.constant 0 : i32
      %parallel_loop3A_708 = arith.index_cast %parallel_loop3A_707 : i32 to index
      %parallel_loop3A_709 = arith.index_cast %parallel_loop3A_478 : i32 to index
      %parallel_loop3A_710 = arith.constant 112 : index
      %parallel_loop3A_711 = tpu.vector_load %arg7[%parallel_loop3A_708, %parallel_loop3A_709, %parallel_loop3A_710] {strides = array<i32>} : memref<4x64x128xf32, #tpu.memory_space<vmem>>, vector<1x1x16xf32>,
      %parallel_loop3A_712 = vector.shape_cast %parallel_loop3A_711 : vector<1x1x16xf32> to vector<16xf32>
      %parallel_loop3A_713 = vector.shape_cast %parallel_loop3A_706 : vector<16xf32> to vector<1x1x16xf32>
      tpu.vector_store %arg7[%parallel_loop3A_708, %parallel_loop3A_709, %parallel_loop3A_710], %parallel_loop3A_713 {add = true, strides = array<i32>} : memref<4x64x128xf32, #tpu.memory_space<vmem>>, vector<1x1x16xf32>,
      %parallel_loop3A_714 = arith.constant 1 : i32
      %parallel_loop3A_715 = arith.index_cast %parallel_loop3A_714 : i32 to index
      %parallel_loop3A_716 = arith.index_cast %parallel_loop3A_478 : i32 to index
      %parallel_loop3A_717 = arith.constant 112 : index
      %parallel_loop3A_718 = tpu.vector_load %arg7[%parallel_loop3A_715, %parallel_loop3A_716, %parallel_loop3A_717] {strides = array<i32>} : memref<4x64x128xf32, #tpu.memory_space<vmem>>, vector<1x1x16xf32>,
      %parallel_loop3A_719 = vector.shape_cast %parallel_loop3A_718 : vector<1x1x16xf32> to vector<16xf32>
      %parallel_loop3A_720 = vector.shape_cast %parallel_loop3A_706 : vector<16xf32> to vector<1x1x16xf32>
      tpu.vector_store %arg7[%parallel_loop3A_715, %parallel_loop3A_716, %parallel_loop3A_717], %parallel_loop3A_720 {add = true, strides = array<i32>} : memref<4x64x128xf32, #tpu.memory_space<vmem>>, vector<1x1x16xf32>,
      %parallel_loop3A_721 = arith.constant 2 : i32
      %parallel_loop3A_722 = arith.index_cast %parallel_loop3A_721 : i32 to index
      %parallel_loop3A_723 = arith.index_cast %parallel_loop3A_478 : i32 to index
      %parallel_loop3A_724 = arith.constant 112 : index
      %parallel_loop3A_725 = tpu.vector_load %arg7[%parallel_loop3A_722, %parallel_loop3A_723, %parallel_loop3A_724] {strides = array<i32>} : memref<4x64x128xf32, #tpu.memory_space<vmem>>, vector<1x1x16xf32>,
      %parallel_loop3A_726 = vector.shape_cast %parallel_loop3A_725 : vector<1x1x16xf32> to vector<16xf32>
      %parallel_loop3A_727 = vector.shape_cast %parallel_loop3A_706 : vector<16xf32> to vector<1x1x16xf32>
      tpu.vector_store %arg7[%parallel_loop3A_722, %parallel_loop3A_723, %parallel_loop3A_724], %parallel_loop3A_727 {add = true, strides = array<i32>} : memref<4x64x128xf32, #tpu.memory_space<vmem>>, vector<1x1x16xf32>,
      %parallel_loop3A_728 = arith.constant 3 : i32
      %parallel_loop3A_729 = arith.index_cast %parallel_loop3A_728 : i32 to index
      %parallel_loop3A_730 = arith.index_cast %parallel_loop3A_478 : i32 to index
      %parallel_loop3A_731 = arith.constant 112 : index
      %parallel_loop3A_732 = tpu.vector_load %arg7[%parallel_loop3A_729, %parallel_loop3A_730, %parallel_loop3A_731] {strides = array<i32>} : memref<4x64x128xf32, #tpu.memory_space<vmem>>, vector<1x1x16xf32>,
      %parallel_loop3A_733 = vector.shape_cast %parallel_loop3A_732 : vector<1x1x16xf32> to vector<16xf32>
      %parallel_loop3A_734 = vector.shape_cast %parallel_loop3A_706 : vector<16xf32> to vector<1x1x16xf32>
      tpu.vector_store %arg7[%parallel_loop3A_729, %parallel_loop3A_730, %parallel_loop3A_731], %parallel_loop3A_734 {add = true, strides = array<i32>} : memref<4x64x128xf32, #tpu.memory_space<vmem>>, vector<1x1x16xf32>,
    } {sc.loop_unroll_factor = 2 : i64, sc.parallel_access}
    %add3A_203 = arith.constant 0 : i32
    %add3A_204 = arith.addi %mul3A_2, %add3A_203 : i32
    %dma_start3A_205 = arith.constant 0 : i32
    %dma_start3A_206 = arith.constant 0 : i32
    %dma_start3A_207 = arith.constant 0 : i32
    %dma_start3A_208 = arith.constant 0 : i32
    %dma_start3A_209 = tpu.memref_slice %arg7[%dma_start3A_205, %dma_start3A_207, %dma_start3A_208] : memref<4x64x128xf32, #tpu.memory_space<vmem>> -> memref<1x32x128xf32, #tpu.memory_space<vmem>>
    %dma_start3A_210 = tpu.memref_squeeze %dma_start3A_209 : memref<1x32x128xf32, #tpu.memory_space<vmem>> -> memref<32x128xf32, #tpu.memory_space<vmem>>
    %dma_start3A_211 = arith.constant 0 : i32
    %dma_start3A_212 = tpu.memref_slice %arg5[%dma_start3A_206, %add3A_204, %dma_start3A_211] : memref<4x2048x128xf32, #tpu.memory_space<hbm>> -> memref<1x32x128xf32, #tpu.memory_space<hbm>>
    %dma_start3A_213 = tpu.memref_squeeze %dma_start3A_212 : memref<1x32x128xf32, #tpu.memory_space<hbm>> -> memref<32x128xf32, #tpu.memory_space<hbm>>
    %dma_start3A_214 = arith.constant 0 : i32
    %dma_start3A_215 = tpu.memref_slice %arg5[%dma_start3A_206, %add3A_204, %dma_start3A_214] : memref<4x2048x128xf32, #tpu.memory_space<hbm>> -> memref<1x32x128xf32, #tpu.memory_space<hbm>>
    %dma_start3A_216 = tpu.memref_squeeze %dma_start3A_215 : memref<1x32x128xf32, #tpu.memory_space<hbm>> -> memref<32x128xf32, #tpu.memory_space<hbm>>
    %dma_start3A_217 = arith.constant 0 : i32
    %dma_start3A_218 = arith.constant 0 : i32
    %dma_start3A_219 = tpu.memref_slice %arg7[%dma_start3A_205, %dma_start3A_217, %dma_start3A_218] : memref<4x64x128xf32, #tpu.memory_space<vmem>> -> memref<1x32x128xf32, #tpu.memory_space<vmem>>
    %dma_start3A_220 = tpu.memref_squeeze %dma_start3A_219 : memref<1x32x128xf32, #tpu.memory_space<vmem>> -> memref<32x128xf32, #tpu.memory_space<vmem>>
    tpu.enqueue_dma source(%dma_start3A_220 : memref<32x128xf32, #tpu.memory_space<vmem>>) target(%dma_start3A_216 : memref<32x128xf32, #tpu.memory_space<hbm>>) target_semaphore(%arg12 : memref<!tpu.dma_semaphore, #tpu.memory_space<semaphore_mem>>)
    %add3A_221 = arith.constant 0 : i32
    %add3A_222 = arith.addi %mul3A_2, %add3A_221 : i32
    %dma_start3A_223 = arith.constant 1 : i32
    %dma_start3A_224 = arith.constant 1 : i32
    %dma_start3A_225 = arith.constant 0 : i32
    %dma_start3A_226 = arith.constant 0 : i32
    %dma_start3A_227 = tpu.memref_slice %arg7[%dma_start3A_223, %dma_start3A_225, %dma_start3A_226] : memref<4x64x128xf32, #tpu.memory_space<vmem>> -> memref<1x32x128xf32, #tpu.memory_space<vmem>>
    %dma_start3A_228 = tpu.memref_squeeze %dma_start3A_227 : memref<1x32x128xf32, #tpu.memory_space<vmem>> -> memref<32x128xf32, #tpu.memory_space<vmem>>
    %dma_start3A_229 = arith.constant 0 : i32
    %dma_start3A_230 = tpu.memref_slice %arg5[%dma_start3A_224, %add3A_222, %dma_start3A_229] : memref<4x2048x128xf32, #tpu.memory_space<hbm>> -> memref<1x32x128xf32, #tpu.memory_space<hbm>>
    %dma_start3A_231 = tpu.memref_squeeze %dma_start3A_230 : memref<1x32x128xf32, #tpu.memory_space<hbm>> -> memref<32x128xf32, #tpu.memory_space<hbm>>
    %dma_start3A_232 = arith.constant 0 : i32
    %dma_start3A_233 = tpu.memref_slice %arg5[%dma_start3A_224, %add3A_222, %dma_start3A_232] : memref<4x2048x128xf32, #tpu.memory_space<hbm>> -> memref<1x32x128xf32, #tpu.memory_space<hbm>>
    %dma_start3A_234 = tpu.memref_squeeze %dma_start3A_233 : memref<1x32x128xf32, #tpu.memory_space<hbm>> -> memref<32x128xf32, #tpu.memory_space<hbm>>
    %dma_start3A_235 = arith.constant 0 : i32
    %dma_start3A_236 = arith.constant 0 : i32
    %dma_start3A_237 = tpu.memref_slice %arg7[%dma_start3A_223, %dma_start3A_235, %dma_start3A_236] : memref<4x64x128xf32, #tpu.memory_space<vmem>> -> memref<1x32x128xf32, #tpu.memory_space<vmem>>
    %dma_start3A_238 = tpu.memref_squeeze %dma_start3A_237 : memref<1x32x128xf32, #tpu.memory_space<vmem>> -> memref<32x128xf32, #tpu.memory_space<vmem>>
    tpu.enqueue_dma source(%dma_start3A_238 : memref<32x128xf32, #tpu.memory_space<vmem>>) target(%dma_start3A_234 : memref<32x128xf32, #tpu.memory_space<hbm>>) target_semaphore(%arg12 : memref<!tpu.dma_semaphore, #tpu.memory_space<semaphore_mem>>)
    %add3A_239 = arith.constant 0 : i32
    %add3A_240 = arith.addi %mul3A_2, %add3A_239 : i32
    %dma_start3A_241 = arith.constant 2 : i32
    %dma_start3A_242 = arith.constant 2 : i32
    %dma_start3A_243 = arith.constant 0 : i32
    %dma_start3A_244 = arith.constant 0 : i32
    %dma_start3A_245 = tpu.memref_slice %arg7[%dma_start3A_241, %dma_start3A_243, %dma_start3A_244] : memref<4x64x128xf32, #tpu.memory_space<vmem>> -> memref<1x32x128xf32, #tpu.memory_space<vmem>>
    %dma_start3A_246 = tpu.memref_squeeze %dma_start3A_245 : memref<1x32x128xf32, #tpu.memory_space<vmem>> -> memref<32x128xf32, #tpu.memory_space<vmem>>
    %dma_start3A_247 = arith.constant 0 : i32
    %dma_start3A_248 = tpu.memref_slice %arg5[%dma_start3A_242, %add3A_240, %dma_start3A_247] : memref<4x2048x128xf32, #tpu.memory_space<hbm>> -> memref<1x32x128xf32, #tpu.memory_space<hbm>>
    %dma_start3A_249 = tpu.memref_squeeze %dma_start3A_248 : memref<1x32x128xf32, #tpu.memory_space<hbm>> -> memref<32x128xf32, #tpu.memory_space<hbm>>
    %dma_start3A_250 = arith.constant 0 : i32
    %dma_start3A_251 = tpu.memref_slice %arg5[%dma_start3A_242, %add3A_240, %dma_start3A_250] : memref<4x2048x128xf32, #tpu.memory_space<hbm>> -> memref<1x32x128xf32, #tpu.memory_space<hbm>>
    %dma_start3A_252 = tpu.memref_squeeze %dma_start3A_251 : memref<1x32x128xf32, #tpu.memory_space<hbm>> -> memref<32x128xf32, #tpu.memory_space<hbm>>
    %dma_start3A_253 = arith.constant 0 : i32
    %dma_start3A_254 = arith.constant 0 : i32
    %dma_start3A_255 = tpu.memref_slice %arg7[%dma_start3A_241, %dma_start3A_253, %dma_start3A_254] : memref<4x64x128xf32, #tpu.memory_space<vmem>> -> memref<1x32x128xf32, #tpu.memory_space<vmem>>
    %dma_start3A_256 = tpu.memref_squeeze %dma_start3A_255 : memref<1x32x128xf32, #tpu.memory_space<vmem>> -> memref<32x128xf32, #tpu.memory_space<vmem>>
    tpu.enqueue_dma source(%dma_start3A_256 : memref<32x128xf32, #tpu.memory_space<vmem>>) target(%dma_start3A_252 : memref<32x128xf32, #tpu.memory_space<hbm>>) target_semaphore(%arg12 : memref<!tpu.dma_semaphore, #tpu.memory_space<semaphore_mem>>)
    %add3A_257 = arith.constant 0 : i32
    %add3A_258 = arith.addi %mul3A_2, %add3A_257 : i32
    %dma_start3A_259 = arith.constant 3 : i32
    %dma_start3A_260 = arith.constant 3 : i32
    %dma_start3A_261 = arith.constant 0 : i32
    %dma_start3A_262 = arith.constant 0 : i32
    %dma_start3A_263 = tpu.memref_slice %arg7[%dma_start3A_259, %dma_start3A_261, %dma_start3A_262] : memref<4x64x128xf32, #tpu.memory_space<vmem>> -> memref<1x32x128xf32, #tpu.memory_space<vmem>>
    %dma_start3A_264 = tpu.memref_squeeze %dma_start3A_263 : memref<1x32x128xf32, #tpu.memory_space<vmem>> -> memref<32x128xf32, #tpu.memory_space<vmem>>
    %dma_start3A_265 = arith.constant 0 : i32
    %dma_start3A_266 = tpu.memref_slice %arg5[%dma_start3A_260, %add3A_258, %dma_start3A_265] : memref<4x2048x128xf32, #tpu.memory_space<hbm>> -> memref<1x32x128xf32, #tpu.memory_space<hbm>>
    %dma_start3A_267 = tpu.memref_squeeze %dma_start3A_266 : memref<1x32x128xf32, #tpu.memory_space<hbm>> -> memref<32x128xf32, #tpu.memory_space<hbm>>
    %dma_start3A_268 = arith.constant 0 : i32
    %dma_start3A_269 = tpu.memref_slice %arg5[%dma_start3A_260, %add3A_258, %dma_start3A_268] : memref<4x2048x128xf32, #tpu.memory_space<hbm>> -> memref<1x32x128xf32, #tpu.memory_space<hbm>>
    %dma_start3A_270 = tpu.memref_squeeze %dma_start3A_269 : memref<1x32x128xf32, #tpu.memory_space<hbm>> -> memref<32x128xf32, #tpu.memory_space<hbm>>
    %dma_start3A_271 = arith.constant 0 : i32
    %dma_start3A_272 = arith.constant 0 : i32
    %dma_start3A_273 = tpu.memref_slice %arg7[%dma_start3A_259, %dma_start3A_271, %dma_start3A_272] : memref<4x64x128xf32, #tpu.memory_space<vmem>> -> memref<1x32x128xf32, #tpu.memory_space<vmem>>
    %dma_start3A_274 = tpu.memref_squeeze %dma_start3A_273 : memref<1x32x128xf32, #tpu.memory_space<vmem>> -> memref<32x128xf32, #tpu.memory_space<vmem>>
    tpu.enqueue_dma source(%dma_start3A_274 : memref<32x128xf32, #tpu.memory_space<vmem>>) target(%dma_start3A_270 : memref<32x128xf32, #tpu.memory_space<hbm>>) target_semaphore(%arg12 : memref<!tpu.dma_semaphore, #tpu.memory_space<semaphore_mem>>)
    %parallel_loop3A_275 = arith.constant 32 : i32
    %parallel_loop3A_276 = arith.constant 64 : i32
    %parallel_loop3A_277 = arith.constant 1 : i32
    scf.for %parallel_loop3A_478 = %parallel_loop3A_275 to %parallel_loop3A_276 step %parallel_loop3A_277  : i32 {
      %parallel_loop3A_479 = arith.index_cast %parallel_loop3A_478 : i32 to index
      %parallel_loop3A_480 = arith.constant 0 : index
      %parallel_loop3A_481 = tpu.vector_load %arg8[%parallel_loop3A_479, %parallel_loop3A_480] {strides = array<i32>} : memref<64x128xf32, #tpu.memory_space<vmem>>, vector<1x16xf32>,
      %parallel_loop3A_482 = vector.shape_cast %parallel_loop3A_481 : vector<1x16xf32> to vector<16xf32>
      %parallel_loop3A_483 = arith.constant 0 : i32
      %parallel_loop3A_484 = arith.index_cast %parallel_loop3A_483 : i32 to index
      %parallel_loop3A_485 = arith.index_cast %parallel_loop3A_478 : i32 to index
      %parallel_loop3A_486 = arith.constant 0 : index
      %parallel_loop3A_487 = tpu.vector_load %arg7[%parallel_loop3A_484, %parallel_loop3A_485, %parallel_loop3A_486] {strides = array<i32>} : memref<4x64x128xf32, #tpu.memory_space<vmem>>, vector<1x1x16xf32>,
      %parallel_loop3A_488 = vector.shape_cast %parallel_loop3A_487 : vector<1x1x16xf32> to vector<16xf32>
      %parallel_loop3A_489 = vector.shape_cast %parallel_loop3A_482 : vector<16xf32> to vector<1x1x16xf32>
      tpu.vector_store %arg7[%parallel_loop3A_484, %parallel_loop3A_485, %parallel_loop3A_486], %parallel_loop3A_489 {add = true, strides = array<i32>} : memref<4x64x128xf32, #tpu.memory_space<vmem>>, vector<1x1x16xf32>,
      %parallel_loop3A_490 = arith.constant 1 : i32
      %parallel_loop3A_491 = arith.index_cast %parallel_loop3A_490 : i32 to index
      %parallel_loop3A_492 = arith.index_cast %parallel_loop3A_478 : i32 to index
      %parallel_loop3A_493 = arith.constant 0 : index
      %parallel_loop3A_494 = tpu.vector_load %arg7[%parallel_loop3A_491, %parallel_loop3A_492, %parallel_loop3A_493] {strides = array<i32>} : memref<4x64x128xf32, #tpu.memory_space<vmem>>, vector<1x1x16xf32>,
      %parallel_loop3A_495 = vector.shape_cast %parallel_loop3A_494 : vector<1x1x16xf32> to vector<16xf32>
      %parallel_loop3A_496 = vector.shape_cast %parallel_loop3A_482 : vector<16xf32> to vector<1x1x16xf32>
      tpu.vector_store %arg7[%parallel_loop3A_491, %parallel_loop3A_492, %parallel_loop3A_493], %parallel_loop3A_496 {add = true, strides = array<i32>} : memref<4x64x128xf32, #tpu.memory_space<vmem>>, vector<1x1x16xf32>,
      %parallel_loop3A_497 = arith.constant 2 : i32
      %parallel_loop3A_498 = arith.index_cast %parallel_loop3A_497 : i32 to index
      %parallel_loop3A_499 = arith.index_cast %parallel_loop3A_478 : i32 to index
      %parallel_loop3A_500 = arith.constant 0 : index
      %parallel_loop3A_501 = tpu.vector_load %arg7[%parallel_loop3A_498, %parallel_loop3A_499, %parallel_loop3A_500] {strides = array<i32>} : memref<4x64x128xf32, #tpu.memory_space<vmem>>, vector<1x1x16xf32>,
      %parallel_loop3A_502 = vector.shape_cast %parallel_loop3A_501 : vector<1x1x16xf32> to vector<16xf32>
      %parallel_loop3A_503 = vector.shape_cast %parallel_loop3A_482 : vector<16xf32> to vector<1x1x16xf32>
      tpu.vector_store %arg7[%parallel_loop3A_498, %parallel_loop3A_499, %parallel_loop3A_500], %parallel_loop3A_503 {add = true, strides = array<i32>} : memref<4x64x128xf32, #tpu.memory_space<vmem>>, vector<1x1x16xf32>,
      %parallel_loop3A_504 = arith.constant 3 : i32
      %parallel_loop3A_505 = arith.index_cast %parallel_loop3A_504 : i32 to index
      %parallel_loop3A_506 = arith.index_cast %parallel_loop3A_478 : i32 to index
      %parallel_loop3A_507 = arith.constant 0 : index
      %parallel_loop3A_508 = tpu.vector_load %arg7[%parallel_loop3A_505, %parallel_loop3A_506, %parallel_loop3A_507] {strides = array<i32>} : memref<4x64x128xf32, #tpu.memory_space<vmem>>, vector<1x1x16xf32>,
      %parallel_loop3A_509 = vector.shape_cast %parallel_loop3A_508 : vector<1x1x16xf32> to vector<16xf32>
      %parallel_loop3A_510 = vector.shape_cast %parallel_loop3A_482 : vector<16xf32> to vector<1x1x16xf32>
      tpu.vector_store %arg7[%parallel_loop3A_505, %parallel_loop3A_506, %parallel_loop3A_507], %parallel_loop3A_510 {add = true, strides = array<i32>} : memref<4x64x128xf32, #tpu.memory_space<vmem>>, vector<1x1x16xf32>,
      %parallel_loop3A_511 = arith.index_cast %parallel_loop3A_478 : i32 to index
      %parallel_loop3A_512 = arith.constant 16 : index
      %parallel_loop3A_513 = tpu.vector_load %arg8[%parallel_loop3A_511, %parallel_loop3A_512] {strides = array<i32>} : memref<64x128xf32, #tpu.memory_space<vmem>>, vector<1x16xf32>,
      %parallel_loop3A_514 = vector.shape_cast %parallel_loop3A_513 : vector<1x16xf32> to vector<16xf32>
      %parallel_loop3A_515 = arith.constant 0 : i32
      %parallel_loop3A_516 = arith.index_cast %parallel_loop3A_515 : i32 to index
      %parallel_loop3A_517 = arith.index_cast %parallel_loop3A_478 : i32 to index
      %parallel_loop3A_518 = arith.constant 16 : index
      %parallel_loop3A_519 = tpu.vector_load %arg7[%parallel_loop3A_516, %parallel_loop3A_517, %parallel_loop3A_518] {strides = array<i32>} : memref<4x64x128xf32, #tpu.memory_space<vmem>>, vector<1x1x16xf32>,
      %parallel_loop3A_520 = vector.shape_cast %parallel_loop3A_519 : vector<1x1x16xf32> to vector<16xf32>
      %parallel_loop3A_521 = vector.shape_cast %parallel_loop3A_514 : vector<16xf32> to vector<1x1x16xf32>
      tpu.vector_store %arg7[%parallel_loop3A_516, %parallel_loop3A_517, %parallel_loop3A_518], %parallel_loop3A_521 {add = true, strides = array<i32>} : memref<4x64x128xf32, #tpu.memory_space<vmem>>, vector<1x1x16xf32>,
      %parallel_loop3A_522 = arith.constant 1 : i32
      %parallel_loop3A_523 = arith.index_cast %parallel_loop3A_522 : i32 to index
      %parallel_loop3A_524 = arith.index_cast %parallel_loop3A_478 : i32 to index
      %parallel_loop3A_525 = arith.constant 16 : index
      %parallel_loop3A_526 = tpu.vector_load %arg7[%parallel_loop3A_523, %parallel_loop3A_524, %parallel_loop3A_525] {strides = array<i32>} : memref<4x64x128xf32, #tpu.memory_space<vmem>>, vector<1x1x16xf32>,
      %parallel_loop3A_527 = vector.shape_cast %parallel_loop3A_526 : vector<1x1x16xf32> to vector<16xf32>
      %parallel_loop3A_528 = vector.shape_cast %parallel_loop3A_514 : vector<16xf32> to vector<1x1x16xf32>
      tpu.vector_store %arg7[%parallel_loop3A_523, %parallel_loop3A_524, %parallel_loop3A_525], %parallel_loop3A_528 {add = true, strides = array<i32>} : memref<4x64x128xf32, #tpu.memory_space<vmem>>, vector<1x1x16xf32>,
      %parallel_loop3A_529 = arith.constant 2 : i32
      %parallel_loop3A_530 = arith.index_cast %parallel_loop3A_529 : i32 to index
      %parallel_loop3A_531 = arith.index_cast %parallel_loop3A_478 : i32 to index
      %parallel_loop3A_532 = arith.constant 16 : index
      %parallel_loop3A_533 = tpu.vector_load %arg7[%parallel_loop3A_530, %parallel_loop3A_531, %parallel_loop3A_532] {strides = array<i32>} : memref<4x64x128xf32, #tpu.memory_space<vmem>>, vector<1x1x16xf32>,
      %parallel_loop3A_534 = vector.shape_cast %parallel_loop3A_533 : vector<1x1x16xf32> to vector<16xf32>
      %parallel_loop3A_535 = vector.shape_cast %parallel_loop3A_514 : vector<16xf32> to vector<1x1x16xf32>
      tpu.vector_store %arg7[%parallel_loop3A_530, %parallel_loop3A_531, %parallel_loop3A_532], %parallel_loop3A_535 {add = true, strides = array<i32>} : memref<4x64x128xf32, #tpu.memory_space<vmem>>, vector<1x1x16xf32>,
      %parallel_loop3A_536 = arith.constant 3 : i32
      %parallel_loop3A_537 = arith.index_cast %parallel_loop3A_536 : i32 to index
      %parallel_loop3A_538 = arith.index_cast %parallel_loop3A_478 : i32 to index
      %parallel_loop3A_539 = arith.constant 16 : index
      %parallel_loop3A_540 = tpu.vector_load %arg7[%parallel_loop3A_537, %parallel_loop3A_538, %parallel_loop3A_539] {strides = array<i32>} : memref<4x64x128xf32, #tpu.memory_space<vmem>>, vector<1x1x16xf32>,
      %parallel_loop3A_541 = vector.shape_cast %parallel_loop3A_540 : vector<1x1x16xf32> to vector<16xf32>
      %parallel_loop3A_542 = vector.shape_cast %parallel_loop3A_514 : vector<16xf32> to vector<1x1x16xf32>
      tpu.vector_store %arg7[%parallel_loop3A_537, %parallel_loop3A_538, %parallel_loop3A_539], %parallel_loop3A_542 {add = true, strides = array<i32>} : memref<4x64x128xf32, #tpu.memory_space<vmem>>, vector<1x1x16xf32>,
      %parallel_loop3A_543 = arith.index_cast %parallel_loop3A_478 : i32 to index
      %parallel_loop3A_544 = arith.constant 32 : index
      %parallel_loop3A_545 = tpu.vector_load %arg8[%parallel_loop3A_543, %parallel_loop3A_544] {strides = array<i32>} : memref<64x128xf32, #tpu.memory_space<vmem>>, vector<1x16xf32>,
      %parallel_loop3A_546 = vector.shape_cast %parallel_loop3A_545 : vector<1x16xf32> to vector<16xf32>
      %parallel_loop3A_547 = arith.constant 0 : i32
      %parallel_loop3A_548 = arith.index_cast %parallel_loop3A_547 : i32 to index
      %parallel_loop3A_549 = arith.index_cast %parallel_loop3A_478 : i32 to index
      %parallel_loop3A_550 = arith.constant 32 : index
      %parallel_loop3A_551 = tpu.vector_load %arg7[%parallel_loop3A_548, %parallel_loop3A_549, %parallel_loop3A_550] {strides = array<i32>} : memref<4x64x128xf32, #tpu.memory_space<vmem>>, vector<1x1x16xf32>,
      %parallel_loop3A_552 = vector.shape_cast %parallel_loop3A_551 : vector<1x1x16xf32> to vector<16xf32>
      %parallel_loop3A_553 = vector.shape_cast %parallel_loop3A_546 : vector<16xf32> to vector<1x1x16xf32>
      tpu.vector_store %arg7[%parallel_loop3A_548, %parallel_loop3A_549, %parallel_loop3A_550], %parallel_loop3A_553 {add = true, strides = array<i32>} : memref<4x64x128xf32, #tpu.memory_space<vmem>>, vector<1x1x16xf32>,
      %parallel_loop3A_554 = arith.constant 1 : i32
      %parallel_loop3A_555 = arith.index_cast %parallel_loop3A_554 : i32 to index
      %parallel_loop3A_556 = arith.index_cast %parallel_loop3A_478 : i32 to index
      %parallel_loop3A_557 = arith.constant 32 : index
      %parallel_loop3A_558 = tpu.vector_load %arg7[%parallel_loop3A_555, %parallel_loop3A_556, %parallel_loop3A_557] {strides = array<i32>} : memref<4x64x128xf32, #tpu.memory_space<vmem>>, vector<1x1x16xf32>,
      %parallel_loop3A_559 = vector.shape_cast %parallel_loop3A_558 : vector<1x1x16xf32> to vector<16xf32>
      %parallel_loop3A_560 = vector.shape_cast %parallel_loop3A_546 : vector<16xf32> to vector<1x1x16xf32>
      tpu.vector_store %arg7[%parallel_loop3A_555, %parallel_loop3A_556, %parallel_loop3A_557], %parallel_loop3A_560 {add = true, strides = array<i32>} : memref<4x64x128xf32, #tpu.memory_space<vmem>>, vector<1x1x16xf32>,
      %parallel_loop3A_561 = arith.constant 2 : i32
      %parallel_loop3A_562 = arith.index_cast %parallel_loop3A_561 : i32 to index
      %parallel_loop3A_563 = arith.index_cast %parallel_loop3A_478 : i32 to index
      %parallel_loop3A_564 = arith.constant 32 : index
      %parallel_loop3A_565 = tpu.vector_load %arg7[%parallel_loop3A_562, %parallel_loop3A_563, %parallel_loop3A_564] {strides = array<i32>} : memref<4x64x128xf32, #tpu.memory_space<vmem>>, vector<1x1x16xf32>,
      %parallel_loop3A_566 = vector.shape_cast %parallel_loop3A_565 : vector<1x1x16xf32> to vector<16xf32>
      %parallel_loop3A_567 = vector.shape_cast %parallel_loop3A_546 : vector<16xf32> to vector<1x1x16xf32>
      tpu.vector_store %arg7[%parallel_loop3A_562, %parallel_loop3A_563, %parallel_loop3A_564], %parallel_loop3A_567 {add = true, strides = array<i32>} : memref<4x64x128xf32, #tpu.memory_space<vmem>>, vector<1x1x16xf32>,
      %parallel_loop3A_568 = arith.constant 3 : i32
      %parallel_loop3A_569 = arith.index_cast %parallel_loop3A_568 : i32 to index
      %parallel_loop3A_570 = arith.index_cast %parallel_loop3A_478 : i32 to index
      %parallel_loop3A_571 = arith.constant 32 : index
      %parallel_loop3A_572 = tpu.vector_load %arg7[%parallel_loop3A_569, %parallel_loop3A_570, %parallel_loop3A_571] {strides = array<i32>} : memref<4x64x128xf32, #tpu.memory_space<vmem>>, vector<1x1x16xf32>,
      %parallel_loop3A_573 = vector.shape_cast %parallel_loop3A_572 : vector<1x1x16xf32> to vector<16xf32>
      %parallel_loop3A_574 = vector.shape_cast %parallel_loop3A_546 : vector<16xf32> to vector<1x1x16xf32>
      tpu.vector_store %arg7[%parallel_loop3A_569, %parallel_loop3A_570, %parallel_loop3A_571], %parallel_loop3A_574 {add = true, strides = array<i32>} : memref<4x64x128xf32, #tpu.memory_space<vmem>>, vector<1x1x16xf32>,
      %parallel_loop3A_575 = arith.index_cast %parallel_loop3A_478 : i32 to index
      %parallel_loop3A_576 = arith.constant 48 : index
      %parallel_loop3A_577 = tpu.vector_load %arg8[%parallel_loop3A_575, %parallel_loop3A_576] {strides = array<i32>} : memref<64x128xf32, #tpu.memory_space<vmem>>, vector<1x16xf32>,
      %parallel_loop3A_578 = vector.shape_cast %parallel_loop3A_577 : vector<1x16xf32> to vector<16xf32>
      %parallel_loop3A_579 = arith.constant 0 : i32
      %parallel_loop3A_580 = arith.index_cast %parallel_loop3A_579 : i32 to index
      %parallel_loop3A_581 = arith.index_cast %parallel_loop3A_478 : i32 to index
      %parallel_loop3A_582 = arith.constant 48 : index
      %parallel_loop3A_583 = tpu.vector_load %arg7[%parallel_loop3A_580, %parallel_loop3A_581, %parallel_loop3A_582] {strides = array<i32>} : memref<4x64x128xf32, #tpu.memory_space<vmem>>, vector<1x1x16xf32>,
      %parallel_loop3A_584 = vector.shape_cast %parallel_loop3A_583 : vector<1x1x16xf32> to vector<16xf32>
      %parallel_loop3A_585 = vector.shape_cast %parallel_loop3A_578 : vector<16xf32> to vector<1x1x16xf32>
      tpu.vector_store %arg7[%parallel_loop3A_580, %parallel_loop3A_581, %parallel_loop3A_582], %parallel_loop3A_585 {add = true, strides = array<i32>} : memref<4x64x128xf32, #tpu.memory_space<vmem>>, vector<1x1x16xf32>,
      %parallel_loop3A_586 = arith.constant 1 : i32
      %parallel_loop3A_587 = arith.index_cast %parallel_loop3A_586 : i32 to index
      %parallel_loop3A_588 = arith.index_cast %parallel_loop3A_478 : i32 to index
      %parallel_loop3A_589 = arith.constant 48 : index
      %parallel_loop3A_590 = tpu.vector_load %arg7[%parallel_loop3A_587, %parallel_loop3A_588, %parallel_loop3A_589] {strides = array<i32>} : memref<4x64x128xf32, #tpu.memory_space<vmem>>, vector<1x1x16xf32>,
      %parallel_loop3A_591 = vector.shape_cast %parallel_loop3A_590 : vector<1x1x16xf32> to vector<16xf32>
      %parallel_loop3A_592 = vector.shape_cast %parallel_loop3A_578 : vector<16xf32> to vector<1x1x16xf32>
      tpu.vector_store %arg7[%parallel_loop3A_587, %parallel_loop3A_588, %parallel_loop3A_589], %parallel_loop3A_592 {add = true, strides = array<i32>} : memref<4x64x128xf32, #tpu.memory_space<vmem>>, vector<1x1x16xf32>,
      %parallel_loop3A_593 = arith.constant 2 : i32
      %parallel_loop3A_594 = arith.index_cast %parallel_loop3A_593 : i32 to index
      %parallel_loop3A_595 = arith.index_cast %parallel_loop3A_478 : i32 to index
      %parallel_loop3A_596 = arith.constant 48 : index
      %parallel_loop3A_597 = tpu.vector_load %arg7[%parallel_loop3A_594, %parallel_loop3A_595, %parallel_loop3A_596] {strides = array<i32>} : memref<4x64x128xf32, #tpu.memory_space<vmem>>, vector<1x1x16xf32>,
      %parallel_loop3A_598 = vector.shape_cast %parallel_loop3A_597 : vector<1x1x16xf32> to vector<16xf32>
      %parallel_loop3A_599 = vector.shape_cast %parallel_loop3A_578 : vector<16xf32> to vector<1x1x16xf32>
      tpu.vector_store %arg7[%parallel_loop3A_594, %parallel_loop3A_595, %parallel_loop3A_596], %parallel_loop3A_599 {add = true, strides = array<i32>} : memref<4x64x128xf32, #tpu.memory_space<vmem>>, vector<1x1x16xf32>,
      %parallel_loop3A_600 = arith.constant 3 : i32
      %parallel_loop3A_601 = arith.index_cast %parallel_loop3A_600 : i32 to index
      %parallel_loop3A_602 = arith.index_cast %parallel_loop3A_478 : i32 to index
      %parallel_loop3A_603 = arith.constant 48 : index
      %parallel_loop3A_604 = tpu.vector_load %arg7[%parallel_loop3A_601, %parallel_loop3A_602, %parallel_loop3A_603] {strides = array<i32>} : memref<4x64x128xf32, #tpu.memory_space<vmem>>, vector<1x1x16xf32>,
      %parallel_loop3A_605 = vector.shape_cast %parallel_loop3A_604 : vector<1x1x16xf32> to vector<16xf32>
      %parallel_loop3A_606 = vector.shape_cast %parallel_loop3A_578 : vector<16xf32> to vector<1x1x16xf32>
      tpu.vector_store %arg7[%parallel_loop3A_601, %parallel_loop3A_602, %parallel_loop3A_603], %parallel_loop3A_606 {add = true, strides = array<i32>} : memref<4x64x128xf32, #tpu.memory_space<vmem>>, vector<1x1x16xf32>,
      %parallel_loop3A_607 = arith.index_cast %parallel_loop3A_478 : i32 to index
      %parallel_loop3A_608 = arith.constant 64 : index
      %parallel_loop3A_609 = tpu.vector_load %arg8[%parallel_loop3A_607, %parallel_loop3A_608] {strides = array<i32>} : memref<64x128xf32, #tpu.memory_space<vmem>>, vector<1x16xf32>,
      %parallel_loop3A_610 = vector.shape_cast %parallel_loop3A_609 : vector<1x16xf32> to vector<16xf32>
      %parallel_loop3A_611 = arith.constant 0 : i32
      %parallel_loop3A_612 = arith.index_cast %parallel_loop3A_611 : i32 to index
      %parallel_loop3A_613 = arith.index_cast %parallel_loop3A_478 : i32 to index
      %parallel_loop3A_614 = arith.constant 64 : index
      %parallel_loop3A_615 = tpu.vector_load %arg7[%parallel_loop3A_612, %parallel_loop3A_613, %parallel_loop3A_614] {strides = array<i32>} : memref<4x64x128xf32, #tpu.memory_space<vmem>>, vector<1x1x16xf32>,
      %parallel_loop3A_616 = vector.shape_cast %parallel_loop3A_615 : vector<1x1x16xf32> to vector<16xf32>
      %parallel_loop3A_617 = vector.shape_cast %parallel_loop3A_610 : vector<16xf32> to vector<1x1x16xf32>
      tpu.vector_store %arg7[%parallel_loop3A_612, %parallel_loop3A_613, %parallel_loop3A_614], %parallel_loop3A_617 {add = true, strides = array<i32>} : memref<4x64x128xf32, #tpu.memory_space<vmem>>, vector<1x1x16xf32>,
      %parallel_loop3A_618 = arith.constant 1 : i32
      %parallel_loop3A_619 = arith.index_cast %parallel_loop3A_618 : i32 to index
      %parallel_loop3A_620 = arith.index_cast %parallel_loop3A_478 : i32 to index
      %parallel_loop3A_621 = arith.constant 64 : index
      %parallel_loop3A_622 = tpu.vector_load %arg7[%parallel_loop3A_619, %parallel_loop3A_620, %parallel_loop3A_621] {strides = array<i32>} : memref<4x64x128xf32, #tpu.memory_space<vmem>>, vector<1x1x16xf32>,
      %parallel_loop3A_623 = vector.shape_cast %parallel_loop3A_622 : vector<1x1x16xf32> to vector<16xf32>
      %parallel_loop3A_624 = vector.shape_cast %parallel_loop3A_610 : vector<16xf32> to vector<1x1x16xf32>
      tpu.vector_store %arg7[%parallel_loop3A_619, %parallel_loop3A_620, %parallel_loop3A_621], %parallel_loop3A_624 {add = true, strides = array<i32>} : memref<4x64x128xf32, #tpu.memory_space<vmem>>, vector<1x1x16xf32>,
      %parallel_loop3A_625 = arith.constant 2 : i32
      %parallel_loop3A_626 = arith.index_cast %parallel_loop3A_625 : i32 to index
      %parallel_loop3A_627 = arith.index_cast %parallel_loop3A_478 : i32 to index
      %parallel_loop3A_628 = arith.constant 64 : index
      %parallel_loop3A_629 = tpu.vector_load %arg7[%parallel_loop3A_626, %parallel_loop3A_627, %parallel_loop3A_628] {strides = array<i32>} : memref<4x64x128xf32, #tpu.memory_space<vmem>>, vector<1x1x16xf32>,
      %parallel_loop3A_630 = vector.shape_cast %parallel_loop3A_629 : vector<1x1x16xf32> to vector<16xf32>
      %parallel_loop3A_631 = vector.shape_cast %parallel_loop3A_610 : vector<16xf32> to vector<1x1x16xf32>
      tpu.vector_store %arg7[%parallel_loop3A_626, %parallel_loop3A_627, %parallel_loop3A_628], %parallel_loop3A_631 {add = true, strides = array<i32>} : memref<4x64x128xf32, #tpu.memory_space<vmem>>, vector<1x1x16xf32>,
      %parallel_loop3A_632 = arith.constant 3 : i32
      %parallel_loop3A_633 = arith.index_cast %parallel_loop3A_632 : i32 to index
      %parallel_loop3A_634 = arith.index_cast %parallel_loop3A_478 : i32 to index
      %parallel_loop3A_635 = arith.constant 64 : index
      %parallel_loop3A_636 = tpu.vector_load %arg7[%parallel_loop3A_633, %parallel_loop3A_634, %parallel_loop3A_635] {strides = array<i32>} : memref<4x64x128xf32, #tpu.memory_space<vmem>>, vector<1x1x16xf32>,
      %parallel_loop3A_637 = vector.shape_cast %parallel_loop3A_636 : vector<1x1x16xf32> to vector<16xf32>
      %parallel_loop3A_638 = vector.shape_cast %parallel_loop3A_610 : vector<16xf32> to vector<1x1x16xf32>
      tpu.vector_store %arg7[%parallel_loop3A_633, %parallel_loop3A_634, %parallel_loop3A_635], %parallel_loop3A_638 {add = true, strides = array<i32>} : memref<4x64x128xf32, #tpu.memory_space<vmem>>, vector<1x1x16xf32>,
      %parallel_loop3A_639 = arith.index_cast %parallel_loop3A_478 : i32 to index
      %parallel_loop3A_640 = arith.constant 80 : index
      %parallel_loop3A_641 = tpu.vector_load %arg8[%parallel_loop3A_639, %parallel_loop3A_640] {strides = array<i32>} : memref<64x128xf32, #tpu.memory_space<vmem>>, vector<1x16xf32>,
      %parallel_loop3A_642 = vector.shape_cast %parallel_loop3A_641 : vector<1x16xf32> to vector<16xf32>
      %parallel_loop3A_643 = arith.constant 0 : i32
      %parallel_loop3A_644 = arith.index_cast %parallel_loop3A_643 : i32 to index
      %parallel_loop3A_645 = arith.index_cast %parallel_loop3A_478 : i32 to index
      %parallel_loop3A_646 = arith.constant 80 : index
      %parallel_loop3A_647 = tpu.vector_load %arg7[%parallel_loop3A_644, %parallel_loop3A_645, %parallel_loop3A_646] {strides = array<i32>} : memref<4x64x128xf32, #tpu.memory_space<vmem>>, vector<1x1x16xf32>,
      %parallel_loop3A_648 = vector.shape_cast %parallel_loop3A_647 : vector<1x1x16xf32> to vector<16xf32>
      %parallel_loop3A_649 = vector.shape_cast %parallel_loop3A_642 : vector<16xf32> to vector<1x1x16xf32>
      tpu.vector_store %arg7[%parallel_loop3A_644, %parallel_loop3A_645, %parallel_loop3A_646], %parallel_loop3A_649 {add = true, strides = array<i32>} : memref<4x64x128xf32, #tpu.memory_space<vmem>>, vector<1x1x16xf32>,
      %parallel_loop3A_650 = arith.constant 1 : i32
      %parallel_loop3A_651 = arith.index_cast %parallel_loop3A_650 : i32 to index
      %parallel_loop3A_652 = arith.index_cast %parallel_loop3A_478 : i32 to index
      %parallel_loop3A_653 = arith.constant 80 : index
      %parallel_loop3A_654 = tpu.vector_load %arg7[%parallel_loop3A_651, %parallel_loop3A_652, %parallel_loop3A_653] {strides = array<i32>} : memref<4x64x128xf32, #tpu.memory_space<vmem>>, vector<1x1x16xf32>,
      %parallel_loop3A_655 = vector.shape_cast %parallel_loop3A_654 : vector<1x1x16xf32> to vector<16xf32>
      %parallel_loop3A_656 = vector.shape_cast %parallel_loop3A_642 : vector<16xf32> to vector<1x1x16xf32>
      tpu.vector_store %arg7[%parallel_loop3A_651, %parallel_loop3A_652, %parallel_loop3A_653], %parallel_loop3A_656 {add = true, strides = array<i32>} : memref<4x64x128xf32, #tpu.memory_space<vmem>>, vector<1x1x16xf32>,
      %parallel_loop3A_657 = arith.constant 2 : i32
      %parallel_loop3A_658 = arith.index_cast %parallel_loop3A_657 : i32 to index
      %parallel_loop3A_659 = arith.index_cast %parallel_loop3A_478 : i32 to index
      %parallel_loop3A_660 = arith.constant 80 : index
      %parallel_loop3A_661 = tpu.vector_load %arg7[%parallel_loop3A_658, %parallel_loop3A_659, %parallel_loop3A_660] {strides = array<i32>} : memref<4x64x128xf32, #tpu.memory_space<vmem>>, vector<1x1x16xf32>,
      %parallel_loop3A_662 = vector.shape_cast %parallel_loop3A_661 : vector<1x1x16xf32> to vector<16xf32>
      %parallel_loop3A_663 = vector.shape_cast %parallel_loop3A_642 : vector<16xf32> to vector<1x1x16xf32>
      tpu.vector_store %arg7[%parallel_loop3A_658, %parallel_loop3A_659, %parallel_loop3A_660], %parallel_loop3A_663 {add = true, strides = array<i32>} : memref<4x64x128xf32, #tpu.memory_space<vmem>>, vector<1x1x16xf32>,
      %parallel_loop3A_664 = arith.constant 3 : i32
      %parallel_loop3A_665 = arith.index_cast %parallel_loop3A_664 : i32 to index
      %parallel_loop3A_666 = arith.index_cast %parallel_loop3A_478 : i32 to index
      %parallel_loop3A_667 = arith.constant 80 : index
      %parallel_loop3A_668 = tpu.vector_load %arg7[%parallel_loop3A_665, %parallel_loop3A_666, %parallel_loop3A_667] {strides = array<i32>} : memref<4x64x128xf32, #tpu.memory_space<vmem>>, vector<1x1x16xf32>,
      %parallel_loop3A_669 = vector.shape_cast %parallel_loop3A_668 : vector<1x1x16xf32> to vector<16xf32>
      %parallel_loop3A_670 = vector.shape_cast %parallel_loop3A_642 : vector<16xf32> to vector<1x1x16xf32>
      tpu.vector_store %arg7[%parallel_loop3A_665, %parallel_loop3A_666, %parallel_loop3A_667], %parallel_loop3A_670 {add = true, strides = array<i32>} : memref<4x64x128xf32, #tpu.memory_space<vmem>>, vector<1x1x16xf32>,
      %parallel_loop3A_671 = arith.index_cast %parallel_loop3A_478 : i32 to index
      %parallel_loop3A_672 = arith.constant 96 : index
      %parallel_loop3A_673 = tpu.vector_load %arg8[%parallel_loop3A_671, %parallel_loop3A_672] {strides = array<i32>} : memref<64x128xf32, #tpu.memory_space<vmem>>, vector<1x16xf32>,
      %parallel_loop3A_674 = vector.shape_cast %parallel_loop3A_673 : vector<1x16xf32> to vector<16xf32>
      %parallel_loop3A_675 = arith.constant 0 : i32
      %parallel_loop3A_676 = arith.index_cast %parallel_loop3A_675 : i32 to index
      %parallel_loop3A_677 = arith.index_cast %parallel_loop3A_478 : i32 to index
      %parallel_loop3A_678 = arith.constant 96 : index
      %parallel_loop3A_679 = tpu.vector_load %arg7[%parallel_loop3A_676, %parallel_loop3A_677, %parallel_loop3A_678] {strides = array<i32>} : memref<4x64x128xf32, #tpu.memory_space<vmem>>, vector<1x1x16xf32>,
      %parallel_loop3A_680 = vector.shape_cast %parallel_loop3A_679 : vector<1x1x16xf32> to vector<16xf32>
      %parallel_loop3A_681 = vector.shape_cast %parallel_loop3A_674 : vector<16xf32> to vector<1x1x16xf32>
      tpu.vector_store %arg7[%parallel_loop3A_676, %parallel_loop3A_677, %parallel_loop3A_678], %parallel_loop3A_681 {add = true, strides = array<i32>} : memref<4x64x128xf32, #tpu.memory_space<vmem>>, vector<1x1x16xf32>,
      %parallel_loop3A_682 = arith.constant 1 : i32
      %parallel_loop3A_683 = arith.index_cast %parallel_loop3A_682 : i32 to index
      %parallel_loop3A_684 = arith.index_cast %parallel_loop3A_478 : i32 to index
      %parallel_loop3A_685 = arith.constant 96 : index
      %parallel_loop3A_686 = tpu.vector_load %arg7[%parallel_loop3A_683, %parallel_loop3A_684, %parallel_loop3A_685] {strides = array<i32>} : memref<4x64x128xf32, #tpu.memory_space<vmem>>, vector<1x1x16xf32>,
      %parallel_loop3A_687 = vector.shape_cast %parallel_loop3A_686 : vector<1x1x16xf32> to vector<16xf32>
      %parallel_loop3A_688 = vector.shape_cast %parallel_loop3A_674 : vector<16xf32> to vector<1x1x16xf32>
      tpu.vector_store %arg7[%parallel_loop3A_683, %parallel_loop3A_684, %parallel_loop3A_685], %parallel_loop3A_688 {add = true, strides = array<i32>} : memref<4x64x128xf32, #tpu.memory_space<vmem>>, vector<1x1x16xf32>,
      %parallel_loop3A_689 = arith.constant 2 : i32
      %parallel_loop3A_690 = arith.index_cast %parallel_loop3A_689 : i32 to index
      %parallel_loop3A_691 = arith.index_cast %parallel_loop3A_478 : i32 to index
      %parallel_loop3A_692 = arith.constant 96 : index
      %parallel_loop3A_693 = tpu.vector_load %arg7[%parallel_loop3A_690, %parallel_loop3A_691, %parallel_loop3A_692] {strides = array<i32>} : memref<4x64x128xf32, #tpu.memory_space<vmem>>, vector<1x1x16xf32>,
      %parallel_loop3A_694 = vector.shape_cast %parallel_loop3A_693 : vector<1x1x16xf32> to vector<16xf32>
      %parallel_loop3A_695 = vector.shape_cast %parallel_loop3A_674 : vector<16xf32> to vector<1x1x16xf32>
      tpu.vector_store %arg7[%parallel_loop3A_690, %parallel_loop3A_691, %parallel_loop3A_692], %parallel_loop3A_695 {add = true, strides = array<i32>} : memref<4x64x128xf32, #tpu.memory_space<vmem>>, vector<1x1x16xf32>,
      %parallel_loop3A_696 = arith.constant 3 : i32
      %parallel_loop3A_697 = arith.index_cast %parallel_loop3A_696 : i32 to index
      %parallel_loop3A_698 = arith.index_cast %parallel_loop3A_478 : i32 to index
      %parallel_loop3A_699 = arith.constant 96 : index
      %parallel_loop3A_700 = tpu.vector_load %arg7[%parallel_loop3A_697, %parallel_loop3A_698, %parallel_loop3A_699] {strides = array<i32>} : memref<4x64x128xf32, #tpu.memory_space<vmem>>, vector<1x1x16xf32>,
      %parallel_loop3A_701 = vector.shape_cast %parallel_loop3A_700 : vector<1x1x16xf32> to vector<16xf32>
      %parallel_loop3A_702 = vector.shape_cast %parallel_loop3A_674 : vector<16xf32> to vector<1x1x16xf32>
      tpu.vector_store %arg7[%parallel_loop3A_697, %parallel_loop3A_698, %parallel_loop3A_699], %parallel_loop3A_702 {add = true, strides = array<i32>} : memref<4x64x128xf32, #tpu.memory_space<vmem>>, vector<1x1x16xf32>,
      %parallel_loop3A_703 = arith.index_cast %parallel_loop3A_478 : i32 to index
      %parallel_loop3A_704 = arith.constant 112 : index
      %parallel_loop3A_705 = tpu.vector_load %arg8[%parallel_loop3A_703, %parallel_loop3A_704] {strides = array<i32>} : memref<64x128xf32, #tpu.memory_space<vmem>>, vector<1x16xf32>,
      %parallel_loop3A_706 = vector.shape_cast %parallel_loop3A_705 : vector<1x16xf32> to vector<16xf32>
      %parallel_loop3A_707 = arith.constant 0 : i32
      %parallel_loop3A_708 = arith.index_cast %parallel_loop3A_707 : i32 to index
      %parallel_loop3A_709 = arith.index_cast %parallel_loop3A_478 : i32 to index
      %parallel_loop3A_710 = arith.constant 112 : index
      %parallel_loop3A_711 = tpu.vector_load %arg7[%parallel_loop3A_708, %parallel_loop3A_709, %parallel_loop3A_710] {strides = array<i32>} : memref<4x64x128xf32, #tpu.memory_space<vmem>>, vector<1x1x16xf32>,
      %parallel_loop3A_712 = vector.shape_cast %parallel_loop3A_711 : vector<1x1x16xf32> to vector<16xf32>
      %parallel_loop3A_713 = vector.shape_cast %parallel_loop3A_706 : vector<16xf32> to vector<1x1x16xf32>
      tpu.vector_store %arg7[%parallel_loop3A_708, %parallel_loop3A_709, %parallel_loop3A_710], %parallel_loop3A_713 {add = true, strides = array<i32>} : memref<4x64x128xf32, #tpu.memory_space<vmem>>, vector<1x1x16xf32>,
      %parallel_loop3A_714 = arith.constant 1 : i32
      %parallel_loop3A_715 = arith.index_cast %parallel_loop3A_714 : i32 to index
      %parallel_loop3A_716 = arith.index_cast %parallel_loop3A_478 : i32 to index
      %parallel_loop3A_717 = arith.constant 112 : index
      %parallel_loop3A_718 = tpu.vector_load %arg7[%parallel_loop3A_715, %parallel_loop3A_716, %parallel_loop3A_717] {strides = array<i32>} : memref<4x64x128xf32, #tpu.memory_space<vmem>>, vector<1x1x16xf32>,
      %parallel_loop3A_719 = vector.shape_cast %parallel_loop3A_718 : vector<1x1x16xf32> to vector<16xf32>
      %parallel_loop3A_720 = vector.shape_cast %parallel_loop3A_706 : vector<16xf32> to vector<1x1x16xf32>
      tpu.vector_store %arg7[%parallel_loop3A_715, %parallel_loop3A_716, %parallel_loop3A_717], %parallel_loop3A_720 {add = true, strides = array<i32>} : memref<4x64x128xf32, #tpu.memory_space<vmem>>, vector<1x1x16xf32>,
      %parallel_loop3A_721 = arith.constant 2 : i32
      %parallel_loop3A_722 = arith.index_cast %parallel_loop3A_721 : i32 to index
      %parallel_loop3A_723 = arith.index_cast %parallel_loop3A_478 : i32 to index
      %parallel_loop3A_724 = arith.constant 112 : index
      %parallel_loop3A_725 = tpu.vector_load %arg7[%parallel_loop3A_722, %parallel_loop3A_723, %parallel_loop3A_724] {strides = array<i32>} : memref<4x64x128xf32, #tpu.memory_space<vmem>>, vector<1x1x16xf32>,
      %parallel_loop3A_726 = vector.shape_cast %parallel_loop3A_725 : vector<1x1x16xf32> to vector<16xf32>
      %parallel_loop3A_727 = vector.shape_cast %parallel_loop3A_706 : vector<16xf32> to vector<1x1x16xf32>
      tpu.vector_store %arg7[%parallel_loop3A_722, %parallel_loop3A_723, %parallel_loop3A_724], %parallel_loop3A_727 {add = true, strides = array<i32>} : memref<4x64x128xf32, #tpu.memory_space<vmem>>, vector<1x1x16xf32>,
      %parallel_loop3A_728 = arith.constant 3 : i32
      %parallel_loop3A_729 = arith.index_cast %parallel_loop3A_728 : i32 to index
      %parallel_loop3A_730 = arith.index_cast %parallel_loop3A_478 : i32 to index
      %parallel_loop3A_731 = arith.constant 112 : index
      %parallel_loop3A_732 = tpu.vector_load %arg7[%parallel_loop3A_729, %parallel_loop3A_730, %parallel_loop3A_731] {strides = array<i32>} : memref<4x64x128xf32, #tpu.memory_space<vmem>>, vector<1x1x16xf32>,
      %parallel_loop3A_733 = vector.shape_cast %parallel_loop3A_732 : vector<1x1x16xf32> to vector<16xf32>
      %parallel_loop3A_734 = vector.shape_cast %parallel_loop3A_706 : vector<16xf32> to vector<1x1x16xf32>
      tpu.vector_store %arg7[%parallel_loop3A_729, %parallel_loop3A_730, %parallel_loop3A_731], %parallel_loop3A_734 {add = true, strides = array<i32>} : memref<4x64x128xf32, #tpu.memory_space<vmem>>, vector<1x1x16xf32>,
    } {sc.loop_unroll_factor = 2 : i64, sc.parallel_access}
    %add3A_278 = arith.constant 32 : i32
    %add3A_279 = arith.addi %mul3A_2, %add3A_278 : i32
    %dma_start3A_280 = arith.constant 0 : i32
    %dma_start3A_281 = arith.constant 0 : i32
    %dma_start3A_282 = arith.constant 32 : i32
    %dma_start3A_283 = arith.constant 0 : i32
    %dma_start3A_284 = tpu.memref_slice %arg7[%dma_start3A_280, %dma_start3A_282, %dma_start3A_283] : memref<4x64x128xf32, #tpu.memory_space<vmem>> -> memref<1x32x128xf32, #tpu.memory_space<vmem>>
    %dma_start3A_285 = tpu.memref_squeeze %dma_start3A_284 : memref<1x32x128xf32, #tpu.memory_space<vmem>> -> memref<32x128xf32, #tpu.memory_space<vmem>>
    %dma_start3A_286 = arith.constant 0 : i32
    %dma_start3A_287 = tpu.memref_slice %arg5[%dma_start3A_281, %add3A_279, %dma_start3A_286] : memref<4x2048x128xf32, #tpu.memory_space<hbm>> -> memref<1x32x128xf32, #tpu.memory_space<hbm>>
    %dma_start3A_288 = tpu.memref_squeeze %dma_start3A_287 : memref<1x32x128xf32, #tpu.memory_space<hbm>> -> memref<32x128xf32, #tpu.memory_space<hbm>>
    %dma_start3A_289 = arith.constant 0 : i32
    %dma_start3A_290 = tpu.memref_slice %arg5[%dma_start3A_281, %add3A_279, %dma_start3A_289] : memref<4x2048x128xf32, #tpu.memory_space<hbm>> -> memref<1x32x128xf32, #tpu.memory_space<hbm>>
    %dma_start3A_291 = tpu.memref_squeeze %dma_start3A_290 : memref<1x32x128xf32, #tpu.memory_space<hbm>> -> memref<32x128xf32, #tpu.memory_space<hbm>>
    %dma_start3A_292 = arith.constant 32 : i32
    %dma_start3A_293 = arith.constant 0 : i32
    %dma_start3A_294 = tpu.memref_slice %arg7[%dma_start3A_280, %dma_start3A_292, %dma_start3A_293] : memref<4x64x128xf32, #tpu.memory_space<vmem>> -> memref<1x32x128xf32, #tpu.memory_space<vmem>>
    %dma_start3A_295 = tpu.memref_squeeze %dma_start3A_294 : memref<1x32x128xf32, #tpu.memory_space<vmem>> -> memref<32x128xf32, #tpu.memory_space<vmem>>
    tpu.enqueue_dma source(%dma_start3A_295 : memref<32x128xf32, #tpu.memory_space<vmem>>) target(%dma_start3A_291 : memref<32x128xf32, #tpu.memory_space<hbm>>) target_semaphore(%arg12 : memref<!tpu.dma_semaphore, #tpu.memory_space<semaphore_mem>>)
    %add3A_296 = arith.constant 32 : i32
    %add3A_297 = arith.addi %mul3A_2, %add3A_296 : i32
    %dma_start3A_298 = arith.constant 1 : i32
    %dma_start3A_299 = arith.constant 1 : i32
    %dma_start3A_300 = arith.constant 32 : i32
    %dma_start3A_301 = arith.constant 0 : i32
    %dma_start3A_302 = tpu.memref_slice %arg7[%dma_start3A_298, %dma_start3A_300, %dma_start3A_301] : memref<4x64x128xf32, #tpu.memory_space<vmem>> -> memref<1x32x128xf32, #tpu.memory_space<vmem>>
    %dma_start3A_303 = tpu.memref_squeeze %dma_start3A_302 : memref<1x32x128xf32, #tpu.memory_space<vmem>> -> memref<32x128xf32, #tpu.memory_space<vmem>>
    %dma_start3A_304 = arith.constant 0 : i32
    %dma_start3A_305 = tpu.memref_slice %arg5[%dma_start3A_299, %add3A_297, %dma_start3A_304] : memref<4x2048x128xf32, #tpu.memory_space<hbm>> -> memref<1x32x128xf32, #tpu.memory_space<hbm>>
    %dma_start3A_306 = tpu.memref_squeeze %dma_start3A_305 : memref<1x32x128xf32, #tpu.memory_space<hbm>> -> memref<32x128xf32, #tpu.memory_space<hbm>>
    %dma_start3A_307 = arith.constant 0 : i32
    %dma_start3A_308 = tpu.memref_slice %arg5[%dma_start3A_299, %add3A_297, %dma_start3A_307] : memref<4x2048x128xf32, #tpu.memory_space<hbm>> -> memref<1x32x128xf32, #tpu.memory_space<hbm>>
    %dma_start3A_309 = tpu.memref_squeeze %dma_start3A_308 : memref<1x32x128xf32, #tpu.memory_space<hbm>> -> memref<32x128xf32, #tpu.memory_space<hbm>>
    %dma_start3A_310 = arith.constant 32 : i32
    %dma_start3A_311 = arith.constant 0 : i32
    %dma_start3A_312 = tpu.memref_slice %arg7[%dma_start3A_298, %dma_start3A_310, %dma_start3A_311] : memref<4x64x128xf32, #tpu.memory_space<vmem>> -> memref<1x32x128xf32, #tpu.memory_space<vmem>>
    %dma_start3A_313 = tpu.memref_squeeze %dma_start3A_312 : memref<1x32x128xf32, #tpu.memory_space<vmem>> -> memref<32x128xf32, #tpu.memory_space<vmem>>
    tpu.enqueue_dma source(%dma_start3A_313 : memref<32x128xf32, #tpu.memory_space<vmem>>) target(%dma_start3A_309 : memref<32x128xf32, #tpu.memory_space<hbm>>) target_semaphore(%arg12 : memref<!tpu.dma_semaphore, #tpu.memory_space<semaphore_mem>>)
    %add3A_314 = arith.constant 32 : i32
    %add3A_315 = arith.addi %mul3A_2, %add3A_314 : i32
    %dma_start3A_316 = arith.constant 2 : i32
    %dma_start3A_317 = arith.constant 2 : i32
    %dma_start3A_318 = arith.constant 32 : i32
    %dma_start3A_319 = arith.constant 0 : i32
    %dma_start3A_320 = tpu.memref_slice %arg7[%dma_start3A_316, %dma_start3A_318, %dma_start3A_319] : memref<4x64x128xf32, #tpu.memory_space<vmem>> -> memref<1x32x128xf32, #tpu.memory_space<vmem>>
    %dma_start3A_321 = tpu.memref_squeeze %dma_start3A_320 : memref<1x32x128xf32, #tpu.memory_space<vmem>> -> memref<32x128xf32, #tpu.memory_space<vmem>>
    %dma_start3A_322 = arith.constant 0 : i32
    %dma_start3A_323 = tpu.memref_slice %arg5[%dma_start3A_317, %add3A_315, %dma_start3A_322] : memref<4x2048x128xf32, #tpu.memory_space<hbm>> -> memref<1x32x128xf32, #tpu.memory_space<hbm>>
    %dma_start3A_324 = tpu.memref_squeeze %dma_start3A_323 : memref<1x32x128xf32, #tpu.memory_space<hbm>> -> memref<32x128xf32, #tpu.memory_space<hbm>>
    %dma_start3A_325 = arith.constant 0 : i32
    %dma_start3A_326 = tpu.memref_slice %arg5[%dma_start3A_317, %add3A_315, %dma_start3A_325] : memref<4x2048x128xf32, #tpu.memory_space<hbm>> -> memref<1x32x128xf32, #tpu.memory_space<hbm>>
    %dma_start3A_327 = tpu.memref_squeeze %dma_start3A_326 : memref<1x32x128xf32, #tpu.memory_space<hbm>> -> memref<32x128xf32, #tpu.memory_space<hbm>>
    %dma_start3A_328 = arith.constant 32 : i32
    %dma_start3A_329 = arith.constant 0 : i32
    %dma_start3A_330 = tpu.memref_slice %arg7[%dma_start3A_316, %dma_start3A_328, %dma_start3A_329] : memref<4x64x128xf32, #tpu.memory_space<vmem>> -> memref<1x32x128xf32, #tpu.memory_space<vmem>>
    %dma_start3A_331 = tpu.memref_squeeze %dma_start3A_330 : memref<1x32x128xf32, #tpu.memory_space<vmem>> -> memref<32x128xf32, #tpu.memory_space<vmem>>
    tpu.enqueue_dma source(%dma_start3A_331 : memref<32x128xf32, #tpu.memory_space<vmem>>) target(%dma_start3A_327 : memref<32x128xf32, #tpu.memory_space<hbm>>) target_semaphore(%arg12 : memref<!tpu.dma_semaphore, #tpu.memory_space<semaphore_mem>>)
    %add3A_332 = arith.constant 32 : i32
    %add3A_333 = arith.addi %mul3A_2, %add3A_332 : i32
    %dma_start3A_334 = arith.constant 3 : i32
    %dma_start3A_335 = arith.constant 3 : i32
    %dma_start3A_336 = arith.constant 32 : i32
    %dma_start3A_337 = arith.constant 0 : i32
    %dma_start3A_338 = tpu.memref_slice %arg7[%dma_start3A_334, %dma_start3A_336, %dma_start3A_337] : memref<4x64x128xf32, #tpu.memory_space<vmem>> -> memref<1x32x128xf32, #tpu.memory_space<vmem>>
    %dma_start3A_339 = tpu.memref_squeeze %dma_start3A_338 : memref<1x32x128xf32, #tpu.memory_space<vmem>> -> memref<32x128xf32, #tpu.memory_space<vmem>>
    %dma_start3A_340 = arith.constant 0 : i32
    %dma_start3A_341 = tpu.memref_slice %arg5[%dma_start3A_335, %add3A_333, %dma_start3A_340] : memref<4x2048x128xf32, #tpu.memory_space<hbm>> -> memref<1x32x128xf32, #tpu.memory_space<hbm>>
    %dma_start3A_342 = tpu.memref_squeeze %dma_start3A_341 : memref<1x32x128xf32, #tpu.memory_space<hbm>> -> memref<32x128xf32, #tpu.memory_space<hbm>>
    %dma_start3A_343 = arith.constant 0 : i32
    %dma_start3A_344 = tpu.memref_slice %arg5[%dma_start3A_335, %add3A_333, %dma_start3A_343] : memref<4x2048x128xf32, #tpu.memory_space<hbm>> -> memref<1x32x128xf32, #tpu.memory_space<hbm>>
    %dma_start3A_345 = tpu.memref_squeeze %dma_start3A_344 : memref<1x32x128xf32, #tpu.memory_space<hbm>> -> memref<32x128xf32, #tpu.memory_space<hbm>>
    %dma_start3A_346 = arith.constant 32 : i32
    %dma_start3A_347 = arith.constant 0 : i32
    %dma_start3A_348 = tpu.memref_slice %arg7[%dma_start3A_334, %dma_start3A_346, %dma_start3A_347] : memref<4x64x128xf32, #tpu.memory_space<vmem>> -> memref<1x32x128xf32, #tpu.memory_space<vmem>>
    %dma_start3A_349 = tpu.memref_squeeze %dma_start3A_348 : memref<1x32x128xf32, #tpu.memory_space<vmem>> -> memref<32x128xf32, #tpu.memory_space<vmem>>
    tpu.enqueue_dma source(%dma_start3A_349 : memref<32x128xf32, #tpu.memory_space<vmem>>) target(%dma_start3A_345 : memref<32x128xf32, #tpu.memory_space<hbm>>) target_semaphore(%arg12 : memref<!tpu.dma_semaphore, #tpu.memory_space<semaphore_mem>>)
    %dma_wait3A_350 = arith.constant 0 : i32
    %dma_wait3A_351 = arith.constant 0 : i32
    %dma_wait3A_352 = arith.constant 0 : i32
    %dma_wait3A_353 = arith.constant 0 : i32
    %dma_wait3A_354 = tpu.memref_slice %arg7[%dma_wait3A_350, %dma_wait3A_352, %dma_wait3A_353] : memref<4x64x128xf32, #tpu.memory_space<vmem>> -> memref<1x32x128xf32, #tpu.memory_space<vmem>>
    %dma_wait3A_355 = tpu.memref_squeeze %dma_wait3A_354 : memref<1x32x128xf32, #tpu.memory_space<vmem>> -> memref<32x128xf32, #tpu.memory_space<vmem>>
    %dma_wait3A_356 = arith.constant 0 : i32
    %dma_wait3A_357 = tpu.memref_slice %arg5[%dma_wait3A_351, %add3A_204, %dma_wait3A_356] : memref<4x2048x128xf32, #tpu.memory_space<hbm>> -> memref<1x32x128xf32, #tpu.memory_space<hbm>>
    %dma_wait3A_358 = tpu.memref_squeeze %dma_wait3A_357 : memref<1x32x128xf32, #tpu.memory_space<hbm>> -> memref<32x128xf32, #tpu.memory_space<hbm>>
    %dma_wait3A_359 = arith.constant 0 : i32
    %dma_wait3A_360 = tpu.memref_slice %arg5[%dma_wait3A_351, %add3A_204, %dma_wait3A_359] : memref<4x2048x128xf32, #tpu.memory_space<hbm>> -> memref<1x32x128xf32, #tpu.memory_space<hbm>>
    %dma_wait3A_361 = tpu.memref_squeeze %dma_wait3A_360 : memref<1x32x128xf32, #tpu.memory_space<hbm>> -> memref<32x128xf32, #tpu.memory_space<hbm>>
    %dma_wait3A_362 = arith.constant 0 : i32
    %dma_wait3A_363 = arith.constant 0 : i32
    %dma_wait3A_364 = tpu.memref_slice %arg7[%dma_wait3A_350, %dma_wait3A_362, %dma_wait3A_363] : memref<4x64x128xf32, #tpu.memory_space<vmem>> -> memref<1x32x128xf32, #tpu.memory_space<vmem>>
    %dma_wait3A_365 = tpu.memref_squeeze %dma_wait3A_364 : memref<1x32x128xf32, #tpu.memory_space<vmem>> -> memref<32x128xf32, #tpu.memory_space<vmem>>
    tpu.wait_dma2 semaphore(%arg12 : memref<!tpu.dma_semaphore, #tpu.memory_space<semaphore_mem>>) src(%dma_wait3A_365 : memref<32x128xf32, #tpu.memory_space<vmem>>) dst(%dma_wait3A_361 : memref<32x128xf32, #tpu.memory_space<hbm>>)
    %dma_wait3A_366 = arith.constant 1 : i32
    %dma_wait3A_367 = arith.constant 1 : i32
    %dma_wait3A_368 = arith.constant 0 : i32
    %dma_wait3A_369 = arith.constant 0 : i32
    %dma_wait3A_370 = tpu.memref_slice %arg7[%dma_wait3A_366, %dma_wait3A_368, %dma_wait3A_369] : memref<4x64x128xf32, #tpu.memory_space<vmem>> -> memref<1x32x128xf32, #tpu.memory_space<vmem>>
    %dma_wait3A_371 = tpu.memref_squeeze %dma_wait3A_370 : memref<1x32x128xf32, #tpu.memory_space<vmem>> -> memref<32x128xf32, #tpu.memory_space<vmem>>
    %dma_wait3A_372 = arith.constant 0 : i32
    %dma_wait3A_373 = tpu.memref_slice %arg5[%dma_wait3A_367, %add3A_222, %dma_wait3A_372] : memref<4x2048x128xf32, #tpu.memory_space<hbm>> -> memref<1x32x128xf32, #tpu.memory_space<hbm>>
    %dma_wait3A_374 = tpu.memref_squeeze %dma_wait3A_373 : memref<1x32x128xf32, #tpu.memory_space<hbm>> -> memref<32x128xf32, #tpu.memory_space<hbm>>
    %dma_wait3A_375 = arith.constant 0 : i32
    %dma_wait3A_376 = tpu.memref_slice %arg5[%dma_wait3A_367, %add3A_222, %dma_wait3A_375] : memref<4x2048x128xf32, #tpu.memory_space<hbm>> -> memref<1x32x128xf32, #tpu.memory_space<hbm>>
    %dma_wait3A_377 = tpu.memref_squeeze %dma_wait3A_376 : memref<1x32x128xf32, #tpu.memory_space<hbm>> -> memref<32x128xf32, #tpu.memory_space<hbm>>
    %dma_wait3A_378 = arith.constant 0 : i32
    %dma_wait3A_379 = arith.constant 0 : i32
    %dma_wait3A_380 = tpu.memref_slice %arg7[%dma_wait3A_366, %dma_wait3A_378, %dma_wait3A_379] : memref<4x64x128xf32, #tpu.memory_space<vmem>> -> memref<1x32x128xf32, #tpu.memory_space<vmem>>
    %dma_wait3A_381 = tpu.memref_squeeze %dma_wait3A_380 : memref<1x32x128xf32, #tpu.memory_space<vmem>> -> memref<32x128xf32, #tpu.memory_space<vmem>>
    tpu.wait_dma2 semaphore(%arg12 : memref<!tpu.dma_semaphore, #tpu.memory_space<semaphore_mem>>) src(%dma_wait3A_381 : memref<32x128xf32, #tpu.memory_space<vmem>>) dst(%dma_wait3A_377 : memref<32x128xf32, #tpu.memory_space<hbm>>)
    %dma_wait3A_382 = arith.constant 2 : i32
    %dma_wait3A_383 = arith.constant 2 : i32
    %dma_wait3A_384 = arith.constant 0 : i32
    %dma_wait3A_385 = arith.constant 0 : i32
    %dma_wait3A_386 = tpu.memref_slice %arg7[%dma_wait3A_382, %dma_wait3A_384, %dma_wait3A_385] : memref<4x64x128xf32, #tpu.memory_space<vmem>> -> memref<1x32x128xf32, #tpu.memory_space<vmem>>
    %dma_wait3A_387 = tpu.memref_squeeze %dma_wait3A_386 : memref<1x32x128xf32, #tpu.memory_space<vmem>> -> memref<32x128xf32, #tpu.memory_space<vmem>>
    %dma_wait3A_388 = arith.constant 0 : i32
    %dma_wait3A_389 = tpu.memref_slice %arg5[%dma_wait3A_383, %add3A_240, %dma_wait3A_388] : memref<4x2048x128xf32, #tpu.memory_space<hbm>> -> memref<1x32x128xf32, #tpu.memory_space<hbm>>
    %dma_wait3A_390 = tpu.memref_squeeze %dma_wait3A_389 : memref<1x32x128xf32, #tpu.memory_space<hbm>> -> memref<32x128xf32, #tpu.memory_space<hbm>>
    %dma_wait3A_391 = arith.constant 0 : i32
    %dma_wait3A_392 = tpu.memref_slice %arg5[%dma_wait3A_383, %add3A_240, %dma_wait3A_391] : memref<4x2048x128xf32, #tpu.memory_space<hbm>> -> memref<1x32x128xf32, #tpu.memory_space<hbm>>
    %dma_wait3A_393 = tpu.memref_squeeze %dma_wait3A_392 : memref<1x32x128xf32, #tpu.memory_space<hbm>> -> memref<32x128xf32, #tpu.memory_space<hbm>>
    %dma_wait3A_394 = arith.constant 0 : i32
    %dma_wait3A_395 = arith.constant 0 : i32
    %dma_wait3A_396 = tpu.memref_slice %arg7[%dma_wait3A_382, %dma_wait3A_394, %dma_wait3A_395] : memref<4x64x128xf32, #tpu.memory_space<vmem>> -> memref<1x32x128xf32, #tpu.memory_space<vmem>>
    %dma_wait3A_397 = tpu.memref_squeeze %dma_wait3A_396 : memref<1x32x128xf32, #tpu.memory_space<vmem>> -> memref<32x128xf32, #tpu.memory_space<vmem>>
    tpu.wait_dma2 semaphore(%arg12 : memref<!tpu.dma_semaphore, #tpu.memory_space<semaphore_mem>>) src(%dma_wait3A_397 : memref<32x128xf32, #tpu.memory_space<vmem>>) dst(%dma_wait3A_393 : memref<32x128xf32, #tpu.memory_space<hbm>>)
    %dma_wait3A_398 = arith.constant 3 : i32
    %dma_wait3A_399 = arith.constant 3 : i32
    %dma_wait3A_400 = arith.constant 0 : i32
    %dma_wait3A_401 = arith.constant 0 : i32
    %dma_wait3A_402 = tpu.memref_slice %arg7[%dma_wait3A_398, %dma_wait3A_400, %dma_wait3A_401] : memref<4x64x128xf32, #tpu.memory_space<vmem>> -> memref<1x32x128xf32, #tpu.memory_space<vmem>>
    %dma_wait3A_403 = tpu.memref_squeeze %dma_wait3A_402 : memref<1x32x128xf32, #tpu.memory_space<vmem>> -> memref<32x128xf32, #tpu.memory_space<vmem>>
    %dma_wait3A_404 = arith.constant 0 : i32
    %dma_wait3A_405 = tpu.memref_slice %arg5[%dma_wait3A_399, %add3A_258, %dma_wait3A_404] : memref<4x2048x128xf32, #tpu.memory_space<hbm>> -> memref<1x32x128xf32, #tpu.memory_space<hbm>>
    %dma_wait3A_406 = tpu.memref_squeeze %dma_wait3A_405 : memref<1x32x128xf32, #tpu.memory_space<hbm>> -> memref<32x128xf32, #tpu.memory_space<hbm>>
    %dma_wait3A_407 = arith.constant 0 : i32
    %dma_wait3A_408 = tpu.memref_slice %arg5[%dma_wait3A_399, %add3A_258, %dma_wait3A_407] : memref<4x2048x128xf32, #tpu.memory_space<hbm>> -> memref<1x32x128xf32, #tpu.memory_space<hbm>>
    %dma_wait3A_409 = tpu.memref_squeeze %dma_wait3A_408 : memref<1x32x128xf32, #tpu.memory_space<hbm>> -> memref<32x128xf32, #tpu.memory_space<hbm>>
    %dma_wait3A_410 = arith.constant 0 : i32
    %dma_wait3A_411 = arith.constant 0 : i32
    %dma_wait3A_412 = tpu.memref_slice %arg7[%dma_wait3A_398, %dma_wait3A_410, %dma_wait3A_411] : memref<4x64x128xf32, #tpu.memory_space<vmem>> -> memref<1x32x128xf32, #tpu.memory_space<vmem>>
    %dma_wait3A_413 = tpu.memref_squeeze %dma_wait3A_412 : memref<1x32x128xf32, #tpu.memory_space<vmem>> -> memref<32x128xf32, #tpu.memory_space<vmem>>
    tpu.wait_dma2 semaphore(%arg12 : memref<!tpu.dma_semaphore, #tpu.memory_space<semaphore_mem>>) src(%dma_wait3A_413 : memref<32x128xf32, #tpu.memory_space<vmem>>) dst(%dma_wait3A_409 : memref<32x128xf32, #tpu.memory_space<hbm>>)
    %dma_wait3A_414 = arith.constant 0 : i32
    %dma_wait3A_415 = arith.constant 0 : i32
    %dma_wait3A_416 = arith.constant 32 : i32
    %dma_wait3A_417 = arith.constant 0 : i32
    %dma_wait3A_418 = tpu.memref_slice %arg7[%dma_wait3A_414, %dma_wait3A_416, %dma_wait3A_417] : memref<4x64x128xf32, #tpu.memory_space<vmem>> -> memref<1x32x128xf32, #tpu.memory_space<vmem>>
    %dma_wait3A_419 = tpu.memref_squeeze %dma_wait3A_418 : memref<1x32x128xf32, #tpu.memory_space<vmem>> -> memref<32x128xf32, #tpu.memory_space<vmem>>
    %dma_wait3A_420 = arith.constant 0 : i32
    %dma_wait3A_421 = tpu.memref_slice %arg5[%dma_wait3A_415, %add3A_279, %dma_wait3A_420] : memref<4x2048x128xf32, #tpu.memory_space<hbm>> -> memref<1x32x128xf32, #tpu.memory_space<hbm>>
    %dma_wait3A_422 = tpu.memref_squeeze %dma_wait3A_421 : memref<1x32x128xf32, #tpu.memory_space<hbm>> -> memref<32x128xf32, #tpu.memory_space<hbm>>
    %dma_wait3A_423 = arith.constant 0 : i32
    %dma_wait3A_424 = tpu.memref_slice %arg5[%dma_wait3A_415, %add3A_279, %dma_wait3A_423] : memref<4x2048x128xf32, #tpu.memory_space<hbm>> -> memref<1x32x128xf32, #tpu.memory_space<hbm>>
    %dma_wait3A_425 = tpu.memref_squeeze %dma_wait3A_424 : memref<1x32x128xf32, #tpu.memory_space<hbm>> -> memref<32x128xf32, #tpu.memory_space<hbm>>
    %dma_wait3A_426 = arith.constant 32 : i32
    %dma_wait3A_427 = arith.constant 0 : i32
    %dma_wait3A_428 = tpu.memref_slice %arg7[%dma_wait3A_414, %dma_wait3A_426, %dma_wait3A_427] : memref<4x64x128xf32, #tpu.memory_space<vmem>> -> memref<1x32x128xf32, #tpu.memory_space<vmem>>
    %dma_wait3A_429 = tpu.memref_squeeze %dma_wait3A_428 : memref<1x32x128xf32, #tpu.memory_space<vmem>> -> memref<32x128xf32, #tpu.memory_space<vmem>>
    tpu.wait_dma2 semaphore(%arg12 : memref<!tpu.dma_semaphore, #tpu.memory_space<semaphore_mem>>) src(%dma_wait3A_429 : memref<32x128xf32, #tpu.memory_space<vmem>>) dst(%dma_wait3A_425 : memref<32x128xf32, #tpu.memory_space<hbm>>)
    %dma_wait3A_430 = arith.constant 1 : i32
    %dma_wait3A_431 = arith.constant 1 : i32
    %dma_wait3A_432 = arith.constant 32 : i32
    %dma_wait3A_433 = arith.constant 0 : i32
    %dma_wait3A_434 = tpu.memref_slice %arg7[%dma_wait3A_430, %dma_wait3A_432, %dma_wait3A_433] : memref<4x64x128xf32, #tpu.memory_space<vmem>> -> memref<1x32x128xf32, #tpu.memory_space<vmem>>
    %dma_wait3A_435 = tpu.memref_squeeze %dma_wait3A_434 : memref<1x32x128xf32, #tpu.memory_space<vmem>> -> memref<32x128xf32, #tpu.memory_space<vmem>>
    %dma_wait3A_436 = arith.constant 0 : i32
    %dma_wait3A_437 = tpu.memref_slice %arg5[%dma_wait3A_431, %add3A_297, %dma_wait3A_436] : memref<4x2048x128xf32, #tpu.memory_space<hbm>> -> memref<1x32x128xf32, #tpu.memory_space<hbm>>
    %dma_wait3A_438 = tpu.memref_squeeze %dma_wait3A_437 : memref<1x32x128xf32, #tpu.memory_space<hbm>> -> memref<32x128xf32, #tpu.memory_space<hbm>>
    %dma_wait3A_439 = arith.constant 0 : i32
    %dma_wait3A_440 = tpu.memref_slice %arg5[%dma_wait3A_431, %add3A_297, %dma_wait3A_439] : memref<4x2048x128xf32, #tpu.memory_space<hbm>> -> memref<1x32x128xf32, #tpu.memory_space<hbm>>
    %dma_wait3A_441 = tpu.memref_squeeze %dma_wait3A_440 : memref<1x32x128xf32, #tpu.memory_space<hbm>> -> memref<32x128xf32, #tpu.memory_space<hbm>>
    %dma_wait3A_442 = arith.constant 32 : i32
    %dma_wait3A_443 = arith.constant 0 : i32
    %dma_wait3A_444 = tpu.memref_slice %arg7[%dma_wait3A_430, %dma_wait3A_442, %dma_wait3A_443] : memref<4x64x128xf32, #tpu.memory_space<vmem>> -> memref<1x32x128xf32, #tpu.memory_space<vmem>>
    %dma_wait3A_445 = tpu.memref_squeeze %dma_wait3A_444 : memref<1x32x128xf32, #tpu.memory_space<vmem>> -> memref<32x128xf32, #tpu.memory_space<vmem>>
    tpu.wait_dma2 semaphore(%arg12 : memref<!tpu.dma_semaphore, #tpu.memory_space<semaphore_mem>>) src(%dma_wait3A_445 : memref<32x128xf32, #tpu.memory_space<vmem>>) dst(%dma_wait3A_441 : memref<32x128xf32, #tpu.memory_space<hbm>>)
    %dma_wait3A_446 = arith.constant 2 : i32
    %dma_wait3A_447 = arith.constant 2 : i32
    %dma_wait3A_448 = arith.constant 32 : i32
    %dma_wait3A_449 = arith.constant 0 : i32
    %dma_wait3A_450 = tpu.memref_slice %arg7[%dma_wait3A_446, %dma_wait3A_448, %dma_wait3A_449] : memref<4x64x128xf32, #tpu.memory_space<vmem>> -> memref<1x32x128xf32, #tpu.memory_space<vmem>>
    %dma_wait3A_451 = tpu.memref_squeeze %dma_wait3A_450 : memref<1x32x128xf32, #tpu.memory_space<vmem>> -> memref<32x128xf32, #tpu.memory_space<vmem>>
    %dma_wait3A_452 = arith.constant 0 : i32
    %dma_wait3A_453 = tpu.memref_slice %arg5[%dma_wait3A_447, %add3A_315, %dma_wait3A_452] : memref<4x2048x128xf32, #tpu.memory_space<hbm>> -> memref<1x32x128xf32, #tpu.memory_space<hbm>>
    %dma_wait3A_454 = tpu.memref_squeeze %dma_wait3A_453 : memref<1x32x128xf32, #tpu.memory_space<hbm>> -> memref<32x128xf32, #tpu.memory_space<hbm>>
    %dma_wait3A_455 = arith.constant 0 : i32
    %dma_wait3A_456 = tpu.memref_slice %arg5[%dma_wait3A_447, %add3A_315, %dma_wait3A_455] : memref<4x2048x128xf32, #tpu.memory_space<hbm>> -> memref<1x32x128xf32, #tpu.memory_space<hbm>>
    %dma_wait3A_457 = tpu.memref_squeeze %dma_wait3A_456 : memref<1x32x128xf32, #tpu.memory_space<hbm>> -> memref<32x128xf32, #tpu.memory_space<hbm>>
    %dma_wait3A_458 = arith.constant 32 : i32
    %dma_wait3A_459 = arith.constant 0 : i32
    %dma_wait3A_460 = tpu.memref_slice %arg7[%dma_wait3A_446, %dma_wait3A_458, %dma_wait3A_459] : memref<4x64x128xf32, #tpu.memory_space<vmem>> -> memref<1x32x128xf32, #tpu.memory_space<vmem>>
    %dma_wait3A_461 = tpu.memref_squeeze %dma_wait3A_460 : memref<1x32x128xf32, #tpu.memory_space<vmem>> -> memref<32x128xf32, #tpu.memory_space<vmem>>
    tpu.wait_dma2 semaphore(%arg12 : memref<!tpu.dma_semaphore, #tpu.memory_space<semaphore_mem>>) src(%dma_wait3A_461 : memref<32x128xf32, #tpu.memory_space<vmem>>) dst(%dma_wait3A_457 : memref<32x128xf32, #tpu.memory_space<hbm>>)
    %dma_wait3A_462 = arith.constant 3 : i32
    %dma_wait3A_463 = arith.constant 3 : i32
    %dma_wait3A_464 = arith.constant 32 : i32
    %dma_wait3A_465 = arith.constant 0 : i32
    %dma_wait3A_466 = tpu.memref_slice %arg7[%dma_wait3A_462, %dma_wait3A_464, %dma_wait3A_465] : memref<4x64x128xf32, #tpu.memory_space<vmem>> -> memref<1x32x128xf32, #tpu.memory_space<vmem>>
    %dma_wait3A_467 = tpu.memref_squeeze %dma_wait3A_466 : memref<1x32x128xf32, #tpu.memory_space<vmem>> -> memref<32x128xf32, #tpu.memory_space<vmem>>
    %dma_wait3A_468 = arith.constant 0 : i32
    %dma_wait3A_469 = tpu.memref_slice %arg5[%dma_wait3A_463, %add3A_333, %dma_wait3A_468] : memref<4x2048x128xf32, #tpu.memory_space<hbm>> -> memref<1x32x128xf32, #tpu.memory_space<hbm>>
    %dma_wait3A_470 = tpu.memref_squeeze %dma_wait3A_469 : memref<1x32x128xf32, #tpu.memory_space<hbm>> -> memref<32x128xf32, #tpu.memory_space<hbm>>
    %dma_wait3A_471 = arith.constant 0 : i32
    %dma_wait3A_472 = tpu.memref_slice %arg5[%dma_wait3A_463, %add3A_333, %dma_wait3A_471] : memref<4x2048x128xf32, #tpu.memory_space<hbm>> -> memref<1x32x128xf32, #tpu.memory_space<hbm>>
    %dma_wait3A_473 = tpu.memref_squeeze %dma_wait3A_472 : memref<1x32x128xf32, #tpu.memory_space<hbm>> -> memref<32x128xf32, #tpu.memory_space<hbm>>
    %dma_wait3A_474 = arith.constant 32 : i32
    %dma_wait3A_475 = arith.constant 0 : i32
    %dma_wait3A_476 = tpu.memref_slice %arg7[%dma_wait3A_462, %dma_wait3A_474, %dma_wait3A_475] : memref<4x64x128xf32, #tpu.memory_space<vmem>> -> memref<1x32x128xf32, #tpu.memory_space<vmem>>
    %dma_wait3A_477 = tpu.memref_squeeze %dma_wait3A_476 : memref<1x32x128xf32, #tpu.memory_space<vmem>> -> memref<32x128xf32, #tpu.memory_space<vmem>>
    tpu.wait_dma2 semaphore(%arg12 : memref<!tpu.dma_semaphore, #tpu.memory_space<semaphore_mem>>) src(%dma_wait3A_477 : memref<32x128xf32, #tpu.memory_space<vmem>>) dst(%dma_wait3A_473 : memref<32x128xf32, #tpu.memory_space<hbm>>)
    return
  }
}

</mosaic_0001>

<sc_bundles>
// kernel: _embed.3.cloned.1.call-start
scs
__scs_entry_jumppad:
0x0: {  	(pc) =	sbr.rel $0x88, $3  }
0x1: {  	(tag) =	ssettag $0x0;
	lr =	simm.s32 $0x1  }
0x2: {  	[smem:$0x3F9E] =	sst lr;
	_ =	strace $0xD0000000  }
0x3: {  	_ = 	snop  }
0x4: {  	_ = 	snop  }
0x5: {  	_ = 	snop  }
0x6: {  	_ = 	snop  }
0x7: {  	_ = 	snop  }
__scs_overlays_trampoline_lowered:
0x8: {  	[smem:$0x3FAD] =	sst s0  }
0x9: {  	[smem:$0x3FAE] =	sst s1  }
0xa: {  	[smem:$0x3FAF] =	sst s2  }
0xb: {  	[smem:$0x3FB0] =	sst s3  }
0xc: {  	[smem:$0x3FB1] =	sst s4  }
0xd: {  	[smem:$0x3FB2] =	sst s5  }
0xe: {  	[smem:$0x3FB3] =	sst s6  }
0xf: {  	[smem:$0x3FB4] =	sst s7  }
0x10: {  	[smem:$0x3FB5] =	sst s8  }
0x11: {  	[smem:$0x3FB6] =	sst s9;
	s0 =	simm.s32 @!p0 $0x0  }
0x12: {  	s1 =	sld [smem:$0x3F9C];
	s0 =	simm.s32 @p0 $0x1  }
0x13: {  	[smem:$0x3FB7] =	sst s0;
	s0 =	simm.s32 @!p1 $0x0  }
0x14: {  	s2 =	sld [smem:$0x3F9B];
	s0 =	simm.s32 @p1 $0x1  }
0x15: {  	[smem:$0x3FB8] =	sst s0;
	s0 =	simm.s32 @!p2 $0x0  }
0x16: {  	s3 =	sld [smem:$0x3FDB];
	s0 =	simm.s32 @p2 $0x1  }
0x17: {  	s4 =	simm.s32 $0x1BF5;
	[smem:$0x3FBA] =	sst s0  }
0x18: {  	s0 =	sld [smem:$0x3F9D];
	_ =	swait.ge [sflag:s4], $0x0  }
0x19: {  	s7 =	sld [smem:$0x3F9E]  }
0x1a: {  	s8 =	sadd.s32 $0xFFFFE003, lr  }
0x1b: {  	s9 =	sadd.s32 $0xFFFFFEF7, lr;
	s5 =	simm.s32 $0xFFFFFFFF;
	p2 =	slt.u32 s8, $0xFFFFF086  }
0x1c: {  	p1 =	slt.u32 s9, $0xF7A;
	s5 =	simm.s32 @!p2 $0x0  }
0x1d: {  	s5 =	simm.s32 @p1 $0x1;
	p0 =	seq.s32 s7, s2  }
0x1e: {  	s7 =	smul.u32 @!p0 $0xF7A, s2;
	p2 =	seq.s32 @!p0 s5, $0x0  }
0x1f: {  	s9 =	smul.u32 $0xF7A, s1;
	s8 =	simm.s32 @!p0 $0x1BF5;
	p2 =	por !p2, p0  }
0x20: {  	[sflag:s8] =	ssyncset.s32 @!p0 $0xFFFFF086;
	s6 =	sadd.s32 @!p0 s3, s7;
	s7 =	simm.s32 @!p0 $0x108  }
0x21: {  	s3 =	sadd.s32 s3, s9;
	s6 =	sadd.s32 @!p0 $0x88, s6;
	s7 =	simm.s32 @p2 $0x1082  }
0x22: {  	[simem:s7], [sflag:s8] =	dma.local @!p0 [hbm:s6], $0xF7A  }
0x23: {  	s9 =	sor.u32 $0xD0000000, s2;
	s6 =	simm.s32 $0x108;
	_ =	swait.ge @!p0 [sflag:s8], $0x0  }
0x24: {  	s3 =	sadd.s32 $0x88, s3;
	s6 =	simm.s32 @!p1 $0x1082;
	[sflag:s4] =	ssyncset.s32 $0xFFFFF086  }
0x25: {  	[simem:s6], [sflag:s4] =	dma.local [hbm:s3], $0xF7A  }
0x26: {  	[smem:$0x3F9E] =	sst s1;
	(tag) =	ssettag s2;
	_ =	strace s9  }
0x27: {  	s1 =	sld [smem:$0x3FAE]  }
0x28: {  	s2 =	sld [smem:$0x3FAF]  }
0x29: {  	s4 =	sld [smem:$0x3FB1]  }
0x2a: {  	p0 =	seq.s32 s5, $0x0;
	s5 =	sld [smem:$0x3FB2]  }
0x2b: {  	s6 =	sld [smem:$0x3FB3]  }
0x2c: {  	s7 =	sld [smem:$0x3FB4]  }
0x2d: {  	s3 =	simm.s32 $0x108;
	s8 =	sld [smem:$0x3FB5]  }
0x2e: {  	s3 =	simm.s32 @!p0 $0x1082;
	s9 =	sld [smem:$0x3FB6]  }
0x2f: {  	lr =	sadd.s32 s0, s3;
	s0 =	sld [smem:$0x3FAD]  }
0x30: {  	s3 =	sld [smem:$0x3FB0]  }
0x31: {  	[smem:$0x3FB9] =	sst s10  }
0x32: {  	s10 =	sld [smem:$0x3FB7];
	_ =	sdelay $0x3  }
0x33: {  	p0 =	seq.s32 s10, $0x1;
	s10 =	sld [smem:$0x3FB9];
	_ =	sdelay $0x3  }
0x34: {  	[smem:$0x3FB9] =	sst s10  }
0x35: {  	s10 =	sld [smem:$0x3FB8];
	_ =	sdelay $0x3  }
0x36: {  	p1 =	seq.s32 s10, $0x1;
	s10 =	sld [smem:$0x3FB9];
	_ =	sdelay $0x3  }
0x37: {  	[smem:$0x3FB9] =	sst s10  }
0x38: {  	s10 =	sld [smem:$0x3FBA]  }
0x39: {  	_ = 	snop;
	(pc) =	sbr.ind lr, $3  }
0x3a: {  	_ = 	snop  }
0x3b: {  	_ = 	snop  }
0x3c: {  	p2 =	seq.s32 s10, $0x1;
	s10 =	sld [smem:$0x3FB9]  }
0x3d: {  	_ =	shalt  }
0x3e: {  	_ =	shalt  }
0x3f: {  	_ =	shalt  }
0x40: {  	_ =	shalt  }
0x41: {  	_ =	shalt  }
0x42: {  	_ =	shalt  }
0x43: {  	_ =	shalt  }
0x44: {  	_ =	shalt  }
0x45: {  	_ =	shalt  }
0x46: {  	_ =	shalt  }
0x47: {  	_ =	shalt  }
0x48: {  	_ =	shalt  }
0x49: {  	_ =	shalt  }
0x4a: {  	_ =	shalt  }
0x4b: {  	_ =	shalt  }
0x4c: {  	_ =	shalt  }
0x4d: {  	_ =	shalt  }
0x4e: {  	_ =	shalt  }
0x4f: {  	_ =	shalt  }
0x50: {  	_ =	shalt  }
0x51: {  	_ =	shalt  }
0x52: {  	_ =	shalt  }
0x53: {  	_ =	shalt  }
0x54: {  	_ =	shalt  }
0x55: {  	_ =	shalt  }
0x56: {  	_ =	shalt  }
0x57: {  	_ =	shalt  }
0x58: {  	_ =	shalt  }
0x59: {  	_ =	shalt  }
0x5a: {  	_ =	shalt  }
0x5b: {  	_ =	shalt  }
0x5c: {  	_ =	shalt  }
0x5d: {  	_ =	shalt  }
0x5e: {  	_ =	shalt  }
0x5f: {  	_ =	shalt  }
0x60: {  	_ =	shalt  }
0x61: {  	_ =	shalt  }
0x62: {  	_ =	shalt  }
0x63: {  	_ =	shalt  }
0x64: {  	_ =	shalt  }
0x65: {  	_ =	shalt  }
0x66: {  	_ =	shalt  }
0x67: {  	_ =	shalt  }
0x68: {  	_ =	shalt  }
0x69: {  	_ =	shalt  }
0x6a: {  	_ =	shalt  }
0x6b: {  	_ =	shalt  }
0x6c: {  	_ =	shalt  }
0x6d: {  	_ =	shalt  }
0x6e: {  	_ =	shalt  }
0x6f: {  	_ =	shalt  }
0x70: {  	_ =	shalt  }
0x71: {  	_ =	shalt  }
0x72: {  	_ =	shalt  }
0x73: {  	_ =	shalt  }
0x74: {  	_ =	shalt  }
0x75: {  	_ =	shalt  }
0x76: {  	_ =	shalt  }
0x77: {  	_ =	shalt  }
0x78: {  	_ =	shalt  }
0x79: {  	_ =	shalt  }
0x7a: {  	_ =	shalt  }
0x7b: {  	_ =	shalt  }
0x7c: {  	_ =	shalt  }
0x7d: {  	_ =	shalt  }
0x7e: {  	_ =	shalt  }
0x7f: {  	_ =	shalt  }
0x80: {  	_ =	shalt  }
0x81: {  	_ =	shalt  }
0x82: {  	_ =	shalt  }
0x83: {  	_ =	shalt  }
0x84: {  	_ =	shalt  }
0x85: {  	_ =	shalt  }
0x86: {  	_ =	shalt  }
0x87: {  	_ =	shalt  }
.Lfunc_end0:
.L_simem_size_0:
called_computation_lowered:
.L_overlay_start_0:
0x88: {  	s2 =	sld [smem:$0x3FD9]  }
0x89: {  	s3 =	sld [smem:$0x3FFE];
	_ =	sdelay $0x1  }
0x8a: {  	s1 =	srdreg.scid  }
0x8b: {  	s0 =	sand.u32 $0x1, s1  }
0x8c: {  	s18 =	sshll.u32 s0, $0xA;
	s2 =	sadd.s32 s3, s2  }
0x8d: {  	s2 =	sadd.s32 s2, s18  }
0x8e: {  	[smem:$0x3FC5] =	sst s2  }
0x8f: {  	_ = 	snop  }
0x90: {  	s2 =	sld [smem:$0x3FC9]  }
0x91: {  	s19 =	sld [smem:$0x3FC8]  }
0x92: {  	s4 =	sld [smem:$0x3FC7]  }
0x93: {  	s5 =	sld [smem:$0x3FD0];
	(tm) =	ssettm $0x1  }
0x94: {  	s6 =	sld [smem:$0x3FFB];
	_ =	sdelay $0x3  }
0x95: {  	_ =	strace s6  }
0x96: {  	s6 =	sld [smem:$0x3FFC];
	_ =	sdelay $0x3  }
0x97: {  	_ =	strace s6  }
0x98: {  	s6 =	sld [smem:$0x3FFD];
	_ =	sdelay $0x3  }
0x99: {  	_ =	strace s6  }
0x9a: {  	_ =	strace $0x8FFFFFFF  }
0x9b: {  	s20 =	sld [smem:$0x3FDB];
	_ =	sdelay $0x1  }
0x9c: {  	s7 =	simm.s32 $_scs_section_size  }
0x9d: {  	s8 =	simm.s32 $_size__tile_overlayer_lowered;
	s9 =	simm.s32 $_tile_overlayer_lowered  }
0x9e: {  	s23 =	simm.s32 $0x1BFF;
	s22 =	sshll.u32 s9, $0x1;
	s6 =	sadd.s32 s7, s20  }
0x9f: {  	s10 =	simm.s32 $0x0;
	s21 =	sshll.u32 s8, $0x1;
	s8 =	sadd.s32 s22, s6  }
0xa0: {  	[timem:s10], [sflag:s23] =	dma.local [hbm:s8], s21  }
0xa1: {  	_ =	swait.ge [sflag:s23], s21  }
0xa2: {  	s7 =	ssub.s32 $0x0, s21;
	[sflag:s23] =	ssyncset.done $0x0  }
0xa3: {  	[sflag:s23] =	ssyncadd.s32 s7;
	_ =	sdelay $0x1  }
0xa4: {  	s24 =	simm.s32 $0x1B8B  }
0xa5: {  	_ =	swait.ge [sflag:s24], $0x1  }
0xa6: {  	[sflag:s24] =	ssyncset.done $0x0  }
0xa7: {  	s25 =	simm.s32 $0x1B8E;
	[sflag:s24] =	ssyncadd.s32 $0xFFFFFFFF  }
0xa8: {  	s26 =	simm.s32 $execute0_lowered;
	[smem:$0x3FD2] =	sst s25  }
0xa9: {  	s7 =	sshll.u32 s26, $0x1;
	_ =	strace $0x80000046;
	[dreg:$0x1] =	wrdreg $0xFFFFFFFF  }
0xaa: {  	s28 =	simm.s32 $_size_execute0_lowered;
	s6 =	sadd.s32 s6, s7;
	[dreg:$0x0] =	wrdreg $0x0  }
0xab: {  	s7 =	sshll.u32 s28, $0x1;
	[dreg:$0x2] =	wrdreg s6  }
0xac: {  	[dreg:$0x3] =	wrdreg s7  }
0xad: {  	[dreg:$0x4] =	wrdreg $0xC0  }
0xae: {  	_ =	task [dreg:s10], $0x5FFFF  }
0xaf: {  	[dreg:$0x1] =	wrdreg $0xFFFFFFFF  }
0xb0: {  	[dreg:$0x0] =	wrdreg $0x60  }
0xb1: {  	[dreg:$0x2] =	wrdreg s2  }
0xb2: {  	[dreg:$0x3] =	wrdreg s19  }
0xb3: {  	[dreg:$0x4] =	wrdreg s4  }
0xb4: {  	[dreg:$0x5] =	wrdreg s5  }
0xb5: {  	[dreg:$0x6] =	wrdreg $0x9  }
0xb6: {  	_ =	task.clear_ibuf [dreg:s10], $0x7FFFF;
	_ =	strace $0x90000046  }
0xb7: {  	s29 =	simm.s32 $0x9;
	_ =	strace $0x80000048  }
0xb8: {  	_ =	swait.ge [sflag:s29], $0x1  }
0xb9: {  	[sflag:s29] =	ssyncadd.s32 $0xFFFFFFFF  }
0xba: {  	_ =	strace $0x90000048  }
0xbb: {  	_ =	sfence  }
0xbc: {  	s30 =	sld [smem:$0x0];
	_ =	sdelay $0x2  }
0xbd: {  	s31 =	sshll.u32 s1, $0xD;
	s1 =	sshrl.u32 s1, $0x2  }
0xbe: {  	s3 =	sand.u32 $0x4000, s31;
	s1 =	sadd.s32 s1, s30  }
0xbf: {  	s0 =	sor.u32 s3, s0;
	s1 =	sshll.u32 s1, $0x11  }
0xc0: {  	s0 =	sor.u32 s1, s0  }
0xc1: {  	s0 =	sadd.s32 $0x8F2B, s0  }
0xc2: {  	[sflag:s0] =	ssyncadd.remote.s32 $0x1  }
0xc3: {  	_ =	sfence.sel $0xFFFF  }
0xc4: {  	[dreg:$0x0] =	wrdreg $0xFFFFFFFF;
	(pc) =	sbr.abs _section_cstart, $3  }
0xc5: {  	[dreg:$0x1] =	wrdreg $0xFFFFFFFF  }
0xc6: {  	_ =	task.clear_ibuf [dreg:s10], $0x2FFFF;
	_ =	strace $0x9FFFFFFF  }
0xc7: {  	(tm) =	ssettm $0x7FFFFFFF  }
tec
execute0_lowered:
.L_overlay_start_1:
0x0: {  	(tag) =	ssettag $0x1  }
0x1: {  	s2 =	rddreg [dreg:$0x0]  }
0x2: {  	s0 =	srdreg.scid;
	s1 =	rddreg [dreg:$0x1]  }
0x3: {  	s3 =	stileid.u32;
	s9 =	rddreg [dreg:$0x2]  }
0x4: {  	s8 =	rddreg [dreg:$0x3];
	s18 =	simm.s32 $0x80;
	s19 =	simm.s32 $0x100  }
0x5: {  	s20 =	simm.s32 $0x180;
	s22 =	simm.s32 $0x2;
	s23 =	simm.s32 $0x40  }
0x6: {  	s28 =	simm.s32 $0x6200;
	s29 =	simm.s32 $0x1;
	s0 =	sand.u32 $0x1, s0  }
0x7: {  	s30 =	simm.s32 $0x3;
	s3 =	sshll.u32 s3, $0x7;
	s5 =	sshll.u32 s0, $0x6  }
0x8: {  	s31 =	simm.s32 $0x4;
	s0 =	ssub.s32 $0x2, s0;
	s6 =	sor.u32 s5, s3  }
0x9: {  	s3 =	simm.s32 $0x0;
	s10 =	sshrl.u32 s0, $0x1;
	s7 =	sshll.u32 s6, $0x2  }
0xa: {  	[smem:$0x7FF] =	sst s3;
	s0 =	ssub.s32 s0, s10;
	s26 =	sshll.u32 s6, $0x4  }
0xb: {  	s4 =	sand.u32 $0x1E00, s7;
	_ =	strace $0x80000047;
	s8 =	sadd.s32 s8, s26  }
0xc: {  	s9 =	sadd.s32 s9, s26;
	s17 =	smax.u32 s0, $0x1;
	s26 =	simm.s32 $0x4200  }
0xd: {  	s4 =	sor.u32 s5, s4;
	s5 =	sor.u32 s5, s7;
	s10 =	sadd.s32 $0x8000, s8  }
0xe: {  	s11 =	sadd.s32 $0x10000, s8;
	s12 =	sadd.s32 $0x18000, s8;
	s13 =	sadd.s32 $0x200, s8  }
0xf: {  	s14 =	sadd.s32 $0x8200, s8;
	s15 =	sadd.s32 $0x10200, s8;
	s4 =	sshrl.u32 s4, $0x3  }
0x10: {  	s16 =	sadd.s32 $0x18200, s8;
	s5 =	sshrl.u32 s5, $0x3;
	s4 =	sadd.s32 s2, s4  }
0x11: {  	s25 =	sor.u32 $0x20, s5;
	s5 =	sor.u32 $0x30, s5;
	s24 =	sadd.s32 $0x10, s4  }
0x12: {  	s6 =	sadd.s32 s2, s25;
	s7 =	sadd.s32 s2, s5;
	s25 =	simm.s32 $0x2200  }
0x13: {  	s2 =	simm.s32 $0x0;
	[dreg:$0x5] =	wrdreg s24;
	s24 =	simm.s32 $0x200  }
.LBB2_1:
0x14: {  	[tilespmem:s3], [sflag:$0x2] =	stream.linear.gather [hbm4b:s4+s3], $0x40, $0x38;
	[tilespmem:$0xA200] =	vst v63  }
0x15: {  	s0 =	rddreg [dreg:$0x5]  }
0x16: {  	[tilespmem:s18], [sflag:$0x2] =	stream.linear.gather [hbm4b:s0+s3], $0x40, $0x38;
	[tilespmem:$0xA200] =	vst v63  }
0x17: {  	_ = 	snop  }
0x18: {  	[tilespmem:s19], [sflag:$0x2] =	stream.linear.gather [hbm4b:s6+s3], $0x40, $0x38;
	[tilespmem:$0xA200] =	vst v63  }
0x19: {  	_ = 	snop  }
0x1a: {  	[tilespmem:s20], [sflag:$0x2] =	stream.linear.gather [hbm4b:s7+s3], $0x40, $0x38;
	[tilespmem:$0xA200] =	vst v63  }
0x1b: {  	s21 =	simm.s32 $0x8200  }
0x1c: {  	[tilespmem:s21], [sflag:$0x1] =	stream.linear.gather [hbm4b:s9+s3], $0x2000, $0x38;
	[tilespmem:$0xA200] =	vst v63  }
0x1d: {  	_ =	swait.ge [sflag:s22], $0x40  }
0x1e: {  	[sflag:s22] =	ssyncset.done $0x0  }
0x1f: {  	[sflag:s22] =	ssyncadd.s32 $0xFFFFFFC0  }
0x20: {  	_ =	swait.ge [sflag:s22], $0x40  }
0x21: {  	[sflag:s22] =	ssyncset.done $0x0  }
0x22: {  	[sflag:s22] =	ssyncadd.s32 $0xFFFFFFC0  }
0x23: {  	_ =	swait.ge [sflag:s22], $0x40  }
0x24: {  	[sflag:s22] =	ssyncset.done $0x0  }
0x25: {  	[sflag:s22] =	ssyncadd.s32 $0xFFFFFFC0  }
0x26: {  	_ =	swait.ge [sflag:s22], $0x40  }
0x27: {  	[sflag:s22] =	ssyncset.done $0x0  }
0x28: {  	[sflag:s22] =	ssyncadd.s32 $0xFFFFFFC0  }
0x29: {  	[tilespmem:s24], [sflag:$0x3] =	stream.indirect.gather [hbm4b:s1+s23], $0x80, s3, s23, $0xb8;
	[tilespmem:$0xA200] =	vst v63  }
0x2a: {  	_ = 	snop  }
0x2b: {  	[tilespmem:s25], [sflag:$0x3] =	stream.indirect.gather [hbm4b:s1+s23], $0x80, s18, s23, $0xb8;
	[tilespmem:$0xA200] =	vst v63  }
0x2c: {  	_ = 	snop  }
0x2d: {  	[tilespmem:s26], [sflag:$0x3] =	stream.indirect.gather [hbm4b:s1+s23], $0x80, s19, s23, $0xb8;
	[tilespmem:$0xA200] =	vst v63  }
0x2e: {  	_ = 	snop  }
0x2f: {  	[tilespmem:s28], [sflag:$0x3] =	stream.indirect.gather [hbm4b:s1+s23], $0x80, s20, s23, $0xb8;
	[tilespmem:$0xA200] =	vst v63  }
0x30: {  	_ =	swait.ge [sflag:s29], $0x2000  }
0x31: {  	[sflag:s29] =	ssyncset.done $0x0  }
0x32: {  	[sflag:s29] =	ssyncadd.s32 $0xFFFFE000  }
0x33: {  	_ =	swait.ge [sflag:s30], $0x2000  }
0x34: {  	[sflag:s30] =	ssyncset.done $0x0  }
0x35: {  	[sflag:s30] =	ssyncadd.s32 $0xFFFFE000  }
0x36: {  	_ =	swait.ge [sflag:s30], $0x2000  }
0x37: {  	[sflag:s30] =	ssyncset.done $0x0  }
0x38: {  	[sflag:s30] =	ssyncadd.s32 $0xFFFFE000  }
0x39: {  	_ =	swait.ge [sflag:s30], $0x2000  }
0x3a: {  	[sflag:s30] =	ssyncset.done $0x0  }
0x3b: {  	[sflag:s30] =	ssyncadd.s32 $0xFFFFE000  }
0x3c: {  	_ =	swait.ge [sflag:s30], $0x2000  }
0x3d: {  	[sflag:s30] =	ssyncset.done $0x0  }
0x3e: {  	s0 =	simm.s32 $0x0;
	[sflag:s30] =	ssyncadd.s32 $0xFFFFE000  }
0x3f: {  	v0 =	vld [tilespmem:s0+$0x82F0]  }
0x40: {  	v1 =	vld [tilespmem:s0+$0x8200]  }
0x41: {  	v2 =	vld [tilespmem:s0+$0x8210]  }
0x42: {  	v3 =	vld [tilespmem:s0+$0x8220]  }
0x43: {  	v4 =	vld [tilespmem:s0+$0x8230]  }
0x44: {  	v5 =	vld [tilespmem:s0+$0x8240]  }
0x45: {  	v6 =	vld [tilespmem:s0+$0x8250]  }
0x46: {  	v7 =	vld [tilespmem:s0+$0x8260]  }
0x47: {  	v8 =	vld [tilespmem:s0+$0x8270]  }
0x48: {  	v9 =	vld [tilespmem:s0+$0x8280]  }
0x49: {  	v10 =	vld [tilespmem:s0+$0x8290]  }
0x4a: {  	v11 =	vld [tilespmem:s0+$0x82A0]  }
0x4b: {  	v12 =	vld [tilespmem:s0+$0x82B0]  }
0x4c: {  	v13 =	vld [tilespmem:s0+$0x82C0]  }
0x4d: {  	v14 =	vld [tilespmem:s0+$0x82D0]  }
0x4e: {  	v15 =	vld [tilespmem:s0+$0x82E0]  }
0x4f: {  	[tilespmem:s0+$0x62F0] =	vst.add.f32.msk $0xffff, v0  }
0x50: {  	[tilespmem:s0+$0x200] =	vst.add.f32.msk $0xffff, v1  }
0x51: {  	[tilespmem:s0+$0x2200] =	vst.add.f32.msk $0xffff, v1  }
0x52: {  	[tilespmem:s0+$0x4200] =	vst.add.f32.msk $0xffff, v1  }
0x53: {  	[tilespmem:s0+$0x6200] =	vst.add.f32.msk $0xffff, v1  }
0x54: {  	[tilespmem:s0+$0x210] =	vst.add.f32.msk $0xffff, v2  }
0x55: {  	[tilespmem:s0+$0x2210] =	vst.add.f32.msk $0xffff, v2  }
0x56: {  	[tilespmem:s0+$0x4210] =	vst.add.f32.msk $0xffff, v2  }
0x57: {  	[tilespmem:s0+$0x6210] =	vst.add.f32.msk $0xffff, v2  }
0x58: {  	[tilespmem:s0+$0x220] =	vst.add.f32.msk $0xffff, v3  }
0x59: {  	[tilespmem:s0+$0x2220] =	vst.add.f32.msk $0xffff, v3  }
0x5a: {  	[tilespmem:s0+$0x4220] =	vst.add.f32.msk $0xffff, v3  }
0x5b: {  	[tilespmem:s0+$0x6220] =	vst.add.f32.msk $0xffff, v3  }
0x5c: {  	[tilespmem:s0+$0x230] =	vst.add.f32.msk $0xffff, v4  }
0x5d: {  	[tilespmem:s0+$0x2230] =	vst.add.f32.msk $0xffff, v4  }
0x5e: {  	[tilespmem:s0+$0x4230] =	vst.add.f32.msk $0xffff, v4  }
0x5f: {  	[tilespmem:s0+$0x6230] =	vst.add.f32.msk $0xffff, v4  }
0x60: {  	[tilespmem:s0+$0x240] =	vst.add.f32.msk $0xffff, v5  }
0x61: {  	[tilespmem:s0+$0x2240] =	vst.add.f32.msk $0xffff, v5  }
0x62: {  	[tilespmem:s0+$0x4240] =	vst.add.f32.msk $0xffff, v5  }
0x63: {  	[tilespmem:s0+$0x6240] =	vst.add.f32.msk $0xffff, v5  }
0x64: {  	[tilespmem:s0+$0x250] =	vst.add.f32.msk $0xffff, v6  }
0x65: {  	[tilespmem:s0+$0x2250] =	vst.add.f32.msk $0xffff, v6  }
0x66: {  	[tilespmem:s0+$0x4250] =	vst.add.f32.msk $0xffff, v6  }
0x67: {  	[tilespmem:s0+$0x6250] =	vst.add.f32.msk $0xffff, v6  }
0x68: {  	[tilespmem:s0+$0x260] =	vst.add.f32.msk $0xffff, v7  }
0x69: {  	[tilespmem:s0+$0x2260] =	vst.add.f32.msk $0xffff, v7  }
0x6a: {  	[tilespmem:s0+$0x4260] =	vst.add.f32.msk $0xffff, v7  }
0x6b: {  	[tilespmem:s0+$0x6260] =	vst.add.f32.msk $0xffff, v7  }
0x6c: {  	[tilespmem:s0+$0x270] =	vst.add.f32.msk $0xffff, v8  }
0x6d: {  	[tilespmem:s0+$0x2270] =	vst.add.f32.msk $0xffff, v8  }
0x6e: {  	[tilespmem:s0+$0x4270] =	vst.add.f32.msk $0xffff, v8  }
0x6f: {  	[tilespmem:s0+$0x6270] =	vst.add.f32.msk $0xffff, v8  }
0x70: {  	[tilespmem:s0+$0x280] =	vst.add.f32.msk $0xffff, v9  }
0x71: {  	[tilespmem:s0+$0x2280] =	vst.add.f32.msk $0xffff, v9  }
0x72: {  	[tilespmem:s0+$0x4280] =	vst.add.f32.msk $0xffff, v9  }
0x73: {  	[tilespmem:s0+$0x6280] =	vst.add.f32.msk $0xffff, v9  }
0x74: {  	[tilespmem:s0+$0x290] =	vst.add.f32.msk $0xffff, v10  }
0x75: {  	[tilespmem:s0+$0x2290] =	vst.add.f32.msk $0xffff, v10  }
0x76: {  	[tilespmem:s0+$0x4290] =	vst.add.f32.msk $0xffff, v10  }
0x77: {  	[tilespmem:s0+$0x6290] =	vst.add.f32.msk $0xffff, v10  }
0x78: {  	[tilespmem:s0+$0x2A0] =	vst.add.f32.msk $0xffff, v11  }
0x79: {  	[tilespmem:s0+$0x22A0] =	vst.add.f32.msk $0xffff, v11  }
0x7a: {  	[tilespmem:s0+$0x42A0] =	vst.add.f32.msk $0xffff, v11  }
0x7b: {  	[tilespmem:s0+$0x62A0] =	vst.add.f32.msk $0xffff, v11  }
0x7c: {  	[tilespmem:s0+$0x2B0] =	vst.add.f32.msk $0xffff, v12  }
0x7d: {  	[tilespmem:s0+$0x22B0] =	vst.add.f32.msk $0xffff, v12  }
0x7e: {  	[tilespmem:s0+$0x42B0] =	vst.add.f32.msk $0xffff, v12  }
0x7f: {  	[tilespmem:s0+$0x62B0] =	vst.add.f32.msk $0xffff, v12  }
0x80: {  	[tilespmem:s0+$0x2C0] =	vst.add.f32.msk $0xffff, v13  }
0x81: {  	[tilespmem:s0+$0x22C0] =	vst.add.f32.msk $0xffff, v13  }
0x82: {  	[tilespmem:s0+$0x42C0] =	vst.add.f32.msk $0xffff, v13  }
0x83: {  	[tilespmem:s0+$0x62C0] =	vst.add.f32.msk $0xffff, v13  }
0x84: {  	[tilespmem:s0+$0x2D0] =	vst.add.f32.msk $0xffff, v14  }
0x85: {  	[tilespmem:s0+$0x22D0] =	vst.add.f32.msk $0xffff, v14  }
0x86: {  	[tilespmem:s0+$0x42D0] =	vst.add.f32.msk $0xffff, v14  }
0x87: {  	[tilespmem:s0+$0x62D0] =	vst.add.f32.msk $0xffff, v14  }
0x88: {  	[tilespmem:s0+$0x2E0] =	vst.add.f32.msk $0xffff, v15  }
0x89: {  	[tilespmem:s0+$0x22E0] =	vst.add.f32.msk $0xffff, v15  }
0x8a: {  	[tilespmem:s0+$0x42E0] =	vst.add.f32.msk $0xffff, v15  }
0x8b: {  	[tilespmem:s0+$0x62E0] =	vst.add.f32.msk $0xffff, v15  }
0x8c: {  	[tilespmem:s0+$0x2F0] =	vst.add.f32.msk $0xffff, v0  }
0x8d: {  	s5 =	simm.s32 $0x400;
	s21 =	simm.s32 $0x0;
	[tilespmem:s0+$0x22F0] =	vst.add.f32.msk $0xffff, v0  }
.LBB2_2:
0x8e: {  	s21 =	sadd.s32 $0x2, s21;
	[tilespmem:s0+$0x42F0] =	vst.add.f32.msk $0xffff, v0;
	s0 =	sshra.s32 s5, $0x2  }
0x8f: {  	v0 =	vld [tilespmem:s0+$0x82F0];
	p0 =	slt.u32 s21, $0x1E  }
0x90: {  	v1 =	vld [tilespmem:s0+$0x8200]  }
0x91: {  	v2 =	vld [tilespmem:s0+$0x8210]  }
0x92: {  	v3 =	vld [tilespmem:s0+$0x8220]  }
0x93: {  	v4 =	vld [tilespmem:s0+$0x8230]  }
0x94: {  	[tilespmem:s0+$0x62F0] =	vst.add.f32.msk $0xffff, v0  }
0x95: {  	v5 =	vld [tilespmem:s0+$0x8240]  }
0x96: {  	v6 =	vld [tilespmem:s0+$0x8250]  }
0x97: {  	v7 =	vld [tilespmem:s0+$0x8260]  }
0x98: {  	v8 =	vld [tilespmem:s0+$0x8270]  }
0x99: {  	v9 =	vld [tilespmem:s0+$0x8280]  }
0x9a: {  	v10 =	vld [tilespmem:s0+$0x8290]  }
0x9b: {  	v11 =	vld [tilespmem:s0+$0x82A0]  }
0x9c: {  	v12 =	vld [tilespmem:s0+$0x82B0]  }
0x9d: {  	v13 =	vld [tilespmem:s0+$0x82C0]  }
0x9e: {  	v14 =	vld [tilespmem:s0+$0x82D0]  }
0x9f: {  	v15 =	vld [tilespmem:s0+$0x82E0]  }
0xa0: {  	[tilespmem:s0+$0x200] =	vst.add.f32.msk $0xffff, v1  }
0xa1: {  	[tilespmem:s0+$0x2200] =	vst.add.f32.msk $0xffff, v1  }
0xa2: {  	[tilespmem:s0+$0x4200] =	vst.add.f32.msk $0xffff, v1  }
0xa3: {  	[tilespmem:s0+$0x6200] =	vst.add.f32.msk $0xffff, v1  }
0xa4: {  	[tilespmem:s0+$0x210] =	vst.add.f32.msk $0xffff, v2  }
0xa5: {  	[tilespmem:s0+$0x2210] =	vst.add.f32.msk $0xffff, v2  }
0xa6: {  	[tilespmem:s0+$0x4210] =	vst.add.f32.msk $0xffff, v2  }
0xa7: {  	[tilespmem:s0+$0x6210] =	vst.add.f32.msk $0xffff, v2  }
0xa8: {  	[tilespmem:s0+$0x220] =	vst.add.f32.msk $0xffff, v3  }
0xa9: {  	[tilespmem:s0+$0x2220] =	vst.add.f32.msk $0xffff, v3  }
0xaa: {  	[tilespmem:s0+$0x4220] =	vst.add.f32.msk $0xffff, v3  }
0xab: {  	[tilespmem:s0+$0x6220] =	vst.add.f32.msk $0xffff, v3  }
0xac: {  	[tilespmem:s0+$0x230] =	vst.add.f32.msk $0xffff, v4  }
0xad: {  	[tilespmem:s0+$0x2230] =	vst.add.f32.msk $0xffff, v4  }
0xae: {  	[tilespmem:s0+$0x4230] =	vst.add.f32.msk $0xffff, v4  }
0xaf: {  	[tilespmem:s0+$0x6230] =	vst.add.f32.msk $0xffff, v4  }
0xb0: {  	[tilespmem:s0+$0x240] =	vst.add.f32.msk $0xffff, v5  }
0xb1: {  	[tilespmem:s0+$0x2240] =	vst.add.f32.msk $0xffff, v5  }
0xb2: {  	[tilespmem:s0+$0x4240] =	vst.add.f32.msk $0xffff, v5  }
0xb3: {  	[tilespmem:s0+$0x6240] =	vst.add.f32.msk $0xffff, v5  }
0xb4: {  	[tilespmem:s0+$0x250] =	vst.add.f32.msk $0xffff, v6  }
0xb5: {  	[tilespmem:s0+$0x2250] =	vst.add.f32.msk $0xffff, v6  }
0xb6: {  	[tilespmem:s0+$0x4250] =	vst.add.f32.msk $0xffff, v6  }
0xb7: {  	[tilespmem:s0+$0x6250] =	vst.add.f32.msk $0xffff, v6  }
0xb8: {  	[tilespmem:s0+$0x260] =	vst.add.f32.msk $0xffff, v7  }
0xb9: {  	[tilespmem:s0+$0x2260] =	vst.add.f32.msk $0xffff, v7  }
0xba: {  	[tilespmem:s0+$0x4260] =	vst.add.f32.msk $0xffff, v7  }
0xbb: {  	[tilespmem:s0+$0x6260] =	vst.add.f32.msk $0xffff, v7  }
0xbc: {  	[tilespmem:s0+$0x270] =	vst.add.f32.msk $0xffff, v8  }
0xbd: {  	[tilespmem:s0+$0x2270] =	vst.add.f32.msk $0xffff, v8  }
0xbe: {  	[tilespmem:s0+$0x4270] =	vst.add.f32.msk $0xffff, v8  }
0xbf: {  	[tilespmem:s0+$0x6270] =	vst.add.f32.msk $0xffff, v8  }
0xc0: {  	[tilespmem:s0+$0x280] =	vst.add.f32.msk $0xffff, v9  }
0xc1: {  	[tilespmem:s0+$0x2280] =	vst.add.f32.msk $0xffff, v9  }
0xc2: {  	[tilespmem:s0+$0x4280] =	vst.add.f32.msk $0xffff, v9  }
0xc3: {  	[tilespmem:s0+$0x6280] =	vst.add.f32.msk $0xffff, v9  }
0xc4: {  	[tilespmem:s0+$0x290] =	vst.add.f32.msk $0xffff, v10  }
0xc5: {  	[tilespmem:s0+$0x2290] =	vst.add.f32.msk $0xffff, v10  }
0xc6: {  	[tilespmem:s0+$0x4290] =	vst.add.f32.msk $0xffff, v10  }
0xc7: {  	[tilespmem:s0+$0x6290] =	vst.add.f32.msk $0xffff, v10  }
0xc8: {  	[tilespmem:s0+$0x2A0] =	vst.add.f32.msk $0xffff, v11  }
0xc9: {  	[tilespmem:s0+$0x22A0] =	vst.add.f32.msk $0xffff, v11  }
0xca: {  	[tilespmem:s0+$0x42A0] =	vst.add.f32.msk $0xffff, v11  }
0xcb: {  	[tilespmem:s0+$0x62A0] =	vst.add.f32.msk $0xffff, v11  }
0xcc: {  	[tilespmem:s0+$0x2B0] =	vst.add.f32.msk $0xffff, v12  }
0xcd: {  	[tilespmem:s0+$0x22B0] =	vst.add.f32.msk $0xffff, v12  }
0xce: {  	[tilespmem:s0+$0x42B0] =	vst.add.f32.msk $0xffff, v12  }
0xcf: {  	[tilespmem:s0+$0x62B0] =	vst.add.f32.msk $0xffff, v12  }
0xd0: {  	[tilespmem:s0+$0x2C0] =	vst.add.f32.msk $0xffff, v13  }
0xd1: {  	[tilespmem:s0+$0x22C0] =	vst.add.f32.msk $0xffff, v13  }
0xd2: {  	[tilespmem:s0+$0x42C0] =	vst.add.f32.msk $0xffff, v13  }
0xd3: {  	[tilespmem:s0+$0x62C0] =	vst.add.f32.msk $0xffff, v13  }
0xd4: {  	[tilespmem:s0+$0x2D0] =	vst.add.f32.msk $0xffff, v14  }
0xd5: {  	[tilespmem:s0+$0x22D0] =	vst.add.f32.msk $0xffff, v14  }
0xd6: {  	[tilespmem:s0+$0x42D0] =	vst.add.f32.msk $0xffff, v14  }
0xd7: {  	[tilespmem:s0+$0x62D0] =	vst.add.f32.msk $0xffff, v14  }
0xd8: {  	[tilespmem:s0+$0x2E0] =	vst.add.f32.msk $0xffff, v15  }
.Ltmp0:
0xd9: {  	[tilespmem:s0+$0x22E0] =	vst.add.f32.msk $0xffff, v15;
	(pc) =	sbr.rel @p0 .LBB2_2-.Ltmp0, $4  }
0xda: {  	[tilespmem:s0+$0x42E0] =	vst.add.f32.msk $0xffff, v15  }
0xdb: {  	[tilespmem:s0+$0x62E0] =	vst.add.f32.msk $0xffff, v15  }
0xdc: {  	[tilespmem:s0+$0x2F0] =	vst.add.f32.msk $0xffff, v0  }
0xdd: {  	s5 =	sadd.s32 $0x400, s5;
	[tilespmem:s0+$0x22F0] =	vst.add.f32.msk $0xffff, v0  }
0xde: {  	[tilespmem:s0+$0x42F0] =	vst.add.f32.msk $0xffff, v0;
	s21 =	simm.s32 $0x0  }
0xdf: {  	[hbm4b:s8+s21] =	stream.linear.scatter [tilespmem:s24], [sflag:$0x4], $0x1000, $0x38;
	[tilespmem:$0xA200] =	vst v63  }
0xe0: {  	_ = 	snop  }
0xe1: {  	[hbm4b:s10+s21] =	stream.linear.scatter [tilespmem:s25], [sflag:$0x4], $0x1000, $0x38;
	[tilespmem:$0xA200] =	vst v63  }
0xe2: {  	_ = 	snop  }
0xe3: {  	[hbm4b:s11+s21] =	stream.linear.scatter [tilespmem:s26], [sflag:$0x4], $0x1000, $0x38;
	[tilespmem:$0xA200] =	vst v63  }
0xe4: {  	s0 =	simm.s32 $0x0  }
0xe5: {  	[hbm4b:s12+s21] =	stream.linear.scatter [tilespmem:s28], [sflag:$0x4], $0x1000, $0x38;
	[tilespmem:$0xA200] =	vst v63  }
0xe6: {  	v0 =	vld [tilespmem:s0+$0x92F0]  }
0xe7: {  	v1 =	vld [tilespmem:s0+$0x9200]  }
0xe8: {  	v2 =	vld [tilespmem:s0+$0x9210]  }
0xe9: {  	v3 =	vld [tilespmem:s0+$0x9220]  }
0xea: {  	v4 =	vld [tilespmem:s0+$0x9230]  }
0xeb: {  	v5 =	vld [tilespmem:s0+$0x9240]  }
0xec: {  	v6 =	vld [tilespmem:s0+$0x9250]  }
0xed: {  	v7 =	vld [tilespmem:s0+$0x9260]  }
0xee: {  	v8 =	vld [tilespmem:s0+$0x9270]  }
0xef: {  	v9 =	vld [tilespmem:s0+$0x9280]  }
0xf0: {  	v10 =	vld [tilespmem:s0+$0x9290]  }
0xf1: {  	v11 =	vld [tilespmem:s0+$0x92A0]  }
0xf2: {  	v12 =	vld [tilespmem:s0+$0x92B0]  }
0xf3: {  	v13 =	vld [tilespmem:s0+$0x92C0]  }
0xf4: {  	v14 =	vld [tilespmem:s0+$0x92D0]  }
0xf5: {  	v15 =	vld [tilespmem:s0+$0x92E0]  }
0xf6: {  	[tilespmem:s0+$0x72F0] =	vst.add.f32.msk $0xffff, v0  }
0xf7: {  	[tilespmem:s0+$0x1200] =	vst.add.f32.msk $0xffff, v1  }
0xf8: {  	[tilespmem:s0+$0x3200] =	vst.add.f32.msk $0xffff, v1  }
0xf9: {  	[tilespmem:s0+$0x5200] =	vst.add.f32.msk $0xffff, v1  }
0xfa: {  	[tilespmem:s0+$0x7200] =	vst.add.f32.msk $0xffff, v1  }
0xfb: {  	[tilespmem:s0+$0x1210] =	vst.add.f32.msk $0xffff, v2  }
0xfc: {  	[tilespmem:s0+$0x3210] =	vst.add.f32.msk $0xffff, v2  }
0xfd: {  	[tilespmem:s0+$0x5210] =	vst.add.f32.msk $0xffff, v2  }
0xfe: {  	[tilespmem:s0+$0x7210] =	vst.add.f32.msk $0xffff, v2  }
0xff: {  	[tilespmem:s0+$0x1220] =	vst.add.f32.msk $0xffff, v3  }
0x100: {  	[tilespmem:s0+$0x3220] =	vst.add.f32.msk $0xffff, v3  }
0x101: {  	[tilespmem:s0+$0x5220] =	vst.add.f32.msk $0xffff, v3  }
0x102: {  	[tilespmem:s0+$0x7220] =	vst.add.f32.msk $0xffff, v3  }
0x103: {  	[tilespmem:s0+$0x1230] =	vst.add.f32.msk $0xffff, v4  }
0x104: {  	[tilespmem:s0+$0x3230] =	vst.add.f32.msk $0xffff, v4  }
0x105: {  	[tilespmem:s0+$0x5230] =	vst.add.f32.msk $0xffff, v4  }
0x106: {  	[tilespmem:s0+$0x7230] =	vst.add.f32.msk $0xffff, v4  }
0x107: {  	[tilespmem:s0+$0x1240] =	vst.add.f32.msk $0xffff, v5  }
0x108: {  	[tilespmem:s0+$0x3240] =	vst.add.f32.msk $0xffff, v5  }
0x109: {  	[tilespmem:s0+$0x5240] =	vst.add.f32.msk $0xffff, v5  }
0x10a: {  	[tilespmem:s0+$0x7240] =	vst.add.f32.msk $0xffff, v5  }
0x10b: {  	[tilespmem:s0+$0x1250] =	vst.add.f32.msk $0xffff, v6  }
0x10c: {  	[tilespmem:s0+$0x3250] =	vst.add.f32.msk $0xffff, v6  }
0x10d: {  	[tilespmem:s0+$0x5250] =	vst.add.f32.msk $0xffff, v6  }
0x10e: {  	[tilespmem:s0+$0x7250] =	vst.add.f32.msk $0xffff, v6  }
0x10f: {  	[tilespmem:s0+$0x1260] =	vst.add.f32.msk $0xffff, v7  }
0x110: {  	[tilespmem:s0+$0x3260] =	vst.add.f32.msk $0xffff, v7  }
0x111: {  	[tilespmem:s0+$0x5260] =	vst.add.f32.msk $0xffff, v7  }
0x112: {  	[tilespmem:s0+$0x7260] =	vst.add.f32.msk $0xffff, v7  }
0x113: {  	[tilespmem:s0+$0x1270] =	vst.add.f32.msk $0xffff, v8  }
0x114: {  	[tilespmem:s0+$0x3270] =	vst.add.f32.msk $0xffff, v8  }
0x115: {  	[tilespmem:s0+$0x5270] =	vst.add.f32.msk $0xffff, v8  }
0x116: {  	[tilespmem:s0+$0x7270] =	vst.add.f32.msk $0xffff, v8  }
0x117: {  	[tilespmem:s0+$0x1280] =	vst.add.f32.msk $0xffff, v9  }
0x118: {  	[tilespmem:s0+$0x3280] =	vst.add.f32.msk $0xffff, v9  }
0x119: {  	[tilespmem:s0+$0x5280] =	vst.add.f32.msk $0xffff, v9  }
0x11a: {  	[tilespmem:s0+$0x7280] =	vst.add.f32.msk $0xffff, v9  }
0x11b: {  	[tilespmem:s0+$0x1290] =	vst.add.f32.msk $0xffff, v10  }
0x11c: {  	[tilespmem:s0+$0x3290] =	vst.add.f32.msk $0xffff, v10  }
0x11d: {  	[tilespmem:s0+$0x5290] =	vst.add.f32.msk $0xffff, v10  }
0x11e: {  	[tilespmem:s0+$0x7290] =	vst.add.f32.msk $0xffff, v10  }
0x11f: {  	[tilespmem:s0+$0x12A0] =	vst.add.f32.msk $0xffff, v11  }
0x120: {  	[tilespmem:s0+$0x32A0] =	vst.add.f32.msk $0xffff, v11  }
0x121: {  	[tilespmem:s0+$0x52A0] =	vst.add.f32.msk $0xffff, v11  }
0x122: {  	[tilespmem:s0+$0x72A0] =	vst.add.f32.msk $0xffff, v11  }
0x123: {  	[tilespmem:s0+$0x12B0] =	vst.add.f32.msk $0xffff, v12  }
0x124: {  	[tilespmem:s0+$0x32B0] =	vst.add.f32.msk $0xffff, v12  }
0x125: {  	[tilespmem:s0+$0x52B0] =	vst.add.f32.msk $0xffff, v12  }
0x126: {  	[tilespmem:s0+$0x72B0] =	vst.add.f32.msk $0xffff, v12  }
0x127: {  	[tilespmem:s0+$0x12C0] =	vst.add.f32.msk $0xffff, v13  }
0x128: {  	[tilespmem:s0+$0x32C0] =	vst.add.f32.msk $0xffff, v13  }
0x129: {  	[tilespmem:s0+$0x52C0] =	vst.add.f32.msk $0xffff, v13  }
0x12a: {  	[tilespmem:s0+$0x72C0] =	vst.add.f32.msk $0xffff, v13  }
0x12b: {  	[tilespmem:s0+$0x12D0] =	vst.add.f32.msk $0xffff, v14  }
0x12c: {  	[tilespmem:s0+$0x32D0] =	vst.add.f32.msk $0xffff, v14  }
0x12d: {  	[tilespmem:s0+$0x52D0] =	vst.add.f32.msk $0xffff, v14  }
0x12e: {  	[tilespmem:s0+$0x72D0] =	vst.add.f32.msk $0xffff, v14  }
0x12f: {  	[tilespmem:s0+$0x12E0] =	vst.add.f32.msk $0xffff, v15  }
0x130: {  	[tilespmem:s0+$0x32E0] =	vst.add.f32.msk $0xffff, v15  }
0x131: {  	[tilespmem:s0+$0x52E0] =	vst.add.f32.msk $0xffff, v15  }
0x132: {  	[tilespmem:s0+$0x72E0] =	vst.add.f32.msk $0xffff, v15  }
0x133: {  	[tilespmem:s0+$0x12F0] =	vst.add.f32.msk $0xffff, v0  }
0x134: {  	s5 =	simm.s32 $0x400;
	s21 =	simm.s32 $0x20;
	[tilespmem:s0+$0x32F0] =	vst.add.f32.msk $0xffff, v0  }
.LBB2_4:
0x135: {  	s21 =	sadd.s32 $0x2, s21;
	[tilespmem:s0+$0x52F0] =	vst.add.f32.msk $0xffff, v0;
	s0 =	sshra.s32 s5, $0x2  }
0x136: {  	v0 =	vld [tilespmem:s0+$0x92F0];
	p0 =	slt.u32 s21, $0x3E  }
0x137: {  	v1 =	vld [tilespmem:s0+$0x9200]  }
0x138: {  	v2 =	vld [tilespmem:s0+$0x9210]  }
0x139: {  	v3 =	vld [tilespmem:s0+$0x9220]  }
0x13a: {  	v4 =	vld [tilespmem:s0+$0x9230]  }
0x13b: {  	[tilespmem:s0+$0x72F0] =	vst.add.f32.msk $0xffff, v0  }
0x13c: {  	v5 =	vld [tilespmem:s0+$0x9240]  }
0x13d: {  	v6 =	vld [tilespmem:s0+$0x9250]  }
0x13e: {  	v7 =	vld [tilespmem:s0+$0x9260]  }
0x13f: {  	v8 =	vld [tilespmem:s0+$0x9270]  }
0x140: {  	v9 =	vld [tilespmem:s0+$0x9280]  }
0x141: {  	v10 =	vld [tilespmem:s0+$0x9290]  }
0x142: {  	v11 =	vld [tilespmem:s0+$0x92A0]  }
0x143: {  	v12 =	vld [tilespmem:s0+$0x92B0]  }
0x144: {  	v13 =	vld [tilespmem:s0+$0x92C0]  }
0x145: {  	v14 =	vld [tilespmem:s0+$0x92D0]  }
0x146: {  	v15 =	vld [tilespmem:s0+$0x92E0]  }
0x147: {  	[tilespmem:s0+$0x1200] =	vst.add.f32.msk $0xffff, v1  }
0x148: {  	[tilespmem:s0+$0x3200] =	vst.add.f32.msk $0xffff, v1  }
0x149: {  	[tilespmem:s0+$0x5200] =	vst.add.f32.msk $0xffff, v1  }
0x14a: {  	[tilespmem:s0+$0x7200] =	vst.add.f32.msk $0xffff, v1  }
0x14b: {  	[tilespmem:s0+$0x1210] =	vst.add.f32.msk $0xffff, v2  }
0x14c: {  	[tilespmem:s0+$0x3210] =	vst.add.f32.msk $0xffff, v2  }
0x14d: {  	[tilespmem:s0+$0x5210] =	vst.add.f32.msk $0xffff, v2  }
0x14e: {  	[tilespmem:s0+$0x7210] =	vst.add.f32.msk $0xffff, v2  }
0x14f: {  	[tilespmem:s0+$0x1220] =	vst.add.f32.msk $0xffff, v3  }
0x150: {  	[tilespmem:s0+$0x3220] =	vst.add.f32.msk $0xffff, v3  }
0x151: {  	[tilespmem:s0+$0x5220] =	vst.add.f32.msk $0xffff, v3  }
0x152: {  	[tilespmem:s0+$0x7220] =	vst.add.f32.msk $0xffff, v3  }
0x153: {  	[tilespmem:s0+$0x1230] =	vst.add.f32.msk $0xffff, v4  }
0x154: {  	[tilespmem:s0+$0x3230] =	vst.add.f32.msk $0xffff, v4  }
0x155: {  	[tilespmem:s0+$0x5230] =	vst.add.f32.msk $0xffff, v4  }
0x156: {  	[tilespmem:s0+$0x7230] =	vst.add.f32.msk $0xffff, v4  }
0x157: {  	[tilespmem:s0+$0x1240] =	vst.add.f32.msk $0xffff, v5  }
0x158: {  	[tilespmem:s0+$0x3240] =	vst.add.f32.msk $0xffff, v5  }
0x159: {  	[tilespmem:s0+$0x5240] =	vst.add.f32.msk $0xffff, v5  }
0x15a: {  	[tilespmem:s0+$0x7240] =	vst.add.f32.msk $0xffff, v5  }
0x15b: {  	[tilespmem:s0+$0x1250] =	vst.add.f32.msk $0xffff, v6  }
0x15c: {  	[tilespmem:s0+$0x3250] =	vst.add.f32.msk $0xffff, v6  }
0x15d: {  	[tilespmem:s0+$0x5250] =	vst.add.f32.msk $0xffff, v6  }
0x15e: {  	[tilespmem:s0+$0x7250] =	vst.add.f32.msk $0xffff, v6  }
0x15f: {  	[tilespmem:s0+$0x1260] =	vst.add.f32.msk $0xffff, v7  }
0x160: {  	[tilespmem:s0+$0x3260] =	vst.add.f32.msk $0xffff, v7  }
0x161: {  	[tilespmem:s0+$0x5260] =	vst.add.f32.msk $0xffff, v7  }
0x162: {  	[tilespmem:s0+$0x7260] =	vst.add.f32.msk $0xffff, v7  }
0x163: {  	[tilespmem:s0+$0x1270] =	vst.add.f32.msk $0xffff, v8  }
0x164: {  	[tilespmem:s0+$0x3270] =	vst.add.f32.msk $0xffff, v8  }
0x165: {  	[tilespmem:s0+$0x5270] =	vst.add.f32.msk $0xffff, v8  }
0x166: {  	[tilespmem:s0+$0x7270] =	vst.add.f32.msk $0xffff, v8  }
0x167: {  	[tilespmem:s0+$0x1280] =	vst.add.f32.msk $0xffff, v9  }
0x168: {  	[tilespmem:s0+$0x3280] =	vst.add.f32.msk $0xffff, v9  }
0x169: {  	[tilespmem:s0+$0x5280] =	vst.add.f32.msk $0xffff, v9  }
0x16a: {  	[tilespmem:s0+$0x7280] =	vst.add.f32.msk $0xffff, v9  }
0x16b: {  	[tilespmem:s0+$0x1290] =	vst.add.f32.msk $0xffff, v10  }
0x16c: {  	[tilespmem:s0+$0x3290] =	vst.add.f32.msk $0xffff, v10  }
0x16d: {  	[tilespmem:s0+$0x5290] =	vst.add.f32.msk $0xffff, v10  }
0x16e: {  	[tilespmem:s0+$0x7290] =	vst.add.f32.msk $0xffff, v10  }
0x16f: {  	[tilespmem:s0+$0x12A0] =	vst.add.f32.msk $0xffff, v11  }
0x170: {  	[tilespmem:s0+$0x32A0] =	vst.add.f32.msk $0xffff, v11  }
0x171: {  	[tilespmem:s0+$0x52A0] =	vst.add.f32.msk $0xffff, v11  }
0x172: {  	[tilespmem:s0+$0x72A0] =	vst.add.f32.msk $0xffff, v11  }
0x173: {  	[tilespmem:s0+$0x12B0] =	vst.add.f32.msk $0xffff, v12  }
0x174: {  	[tilespmem:s0+$0x32B0] =	vst.add.f32.msk $0xffff, v12  }
0x175: {  	[tilespmem:s0+$0x52B0] =	vst.add.f32.msk $0xffff, v12  }
0x176: {  	[tilespmem:s0+$0x72B0] =	vst.add.f32.msk $0xffff, v12  }
0x177: {  	[tilespmem:s0+$0x12C0] =	vst.add.f32.msk $0xffff, v13  }
0x178: {  	[tilespmem:s0+$0x32C0] =	vst.add.f32.msk $0xffff, v13  }
0x179: {  	[tilespmem:s0+$0x52C0] =	vst.add.f32.msk $0xffff, v13  }
0x17a: {  	[tilespmem:s0+$0x72C0] =	vst.add.f32.msk $0xffff, v13  }
0x17b: {  	[tilespmem:s0+$0x12D0] =	vst.add.f32.msk $0xffff, v14  }
0x17c: {  	[tilespmem:s0+$0x32D0] =	vst.add.f32.msk $0xffff, v14  }
0x17d: {  	[tilespmem:s0+$0x52D0] =	vst.add.f32.msk $0xffff, v14  }
0x17e: {  	[tilespmem:s0+$0x72D0] =	vst.add.f32.msk $0xffff, v14  }
0x17f: {  	[tilespmem:s0+$0x12E0] =	vst.add.f32.msk $0xffff, v15  }
.Ltmp1:
0x180: {  	[tilespmem:s0+$0x32E0] =	vst.add.f32.msk $0xffff, v15;
	(pc) =	sbr.rel @p0 .LBB2_4-.Ltmp1, $4  }
0x181: {  	[tilespmem:s0+$0x52E0] =	vst.add.f32.msk $0xffff, v15  }
0x182: {  	[tilespmem:s0+$0x72E0] =	vst.add.f32.msk $0xffff, v15  }
0x183: {  	[tilespmem:s0+$0x12F0] =	vst.add.f32.msk $0xffff, v0  }
0x184: {  	s5 =	sadd.s32 $0x400, s5;
	[tilespmem:s0+$0x32F0] =	vst.add.f32.msk $0xffff, v0  }
0x185: {  	[tilespmem:s0+$0x52F0] =	vst.add.f32.msk $0xffff, v0;
	s5 =	simm.s32 $0x1200  }
0x186: {  	[hbm4b:s13+s3] =	stream.linear.scatter [tilespmem:s5], [sflag:$0x4], $0x1000, $0x38;
	[tilespmem:$0xA200] =	vst v63  }
0x187: {  	s21 =	simm.s32 $0x3200  }
0x188: {  	[hbm4b:s14+s3] =	stream.linear.scatter [tilespmem:s21], [sflag:$0x4], $0x1000, $0x38;
	[tilespmem:$0xA200] =	vst v63  }
0x189: {  	s5 =	simm.s32 $0x5200  }
0x18a: {  	[hbm4b:s15+s3] =	stream.linear.scatter [tilespmem:s5], [sflag:$0x4], $0x1000, $0x38;
	[tilespmem:$0xA200] =	vst v63  }
0x18b: {  	s21 =	simm.s32 $0x7200  }
0x18c: {  	[hbm4b:s16+s3] =	stream.linear.scatter [tilespmem:s21], [sflag:$0x4], $0x1000, $0x38;
	[tilespmem:$0xA200] =	vst v63  }
0x18d: {  	_ =	swait.ge [sflag:s31], $0x1000  }
0x18e: {  	[sflag:s31] =	ssyncset.done $0x0  }
0x18f: {  	[sflag:s31] =	ssyncadd.s32 $0xFFFFF000  }
0x190: {  	_ =	swait.ge [sflag:s31], $0x1000  }
0x191: {  	[sflag:s31] =	ssyncset.done $0x0  }
0x192: {  	[sflag:s31] =	ssyncadd.s32 $0xFFFFF000  }
0x193: {  	_ =	swait.ge [sflag:s31], $0x1000  }
0x194: {  	[sflag:s31] =	ssyncset.done $0x0  }
0x195: {  	[sflag:s31] =	ssyncadd.s32 $0xFFFFF000  }
0x196: {  	_ =	swait.ge [sflag:s31], $0x1000  }
0x197: {  	[sflag:s31] =	ssyncset.done $0x0  }
0x198: {  	[sflag:s31] =	ssyncadd.s32 $0xFFFFF000  }
0x199: {  	_ =	swait.ge [sflag:s31], $0x1000  }
0x19a: {  	[sflag:s31] =	ssyncset.done $0x0  }
0x19b: {  	[sflag:s31] =	ssyncadd.s32 $0xFFFFF000  }
0x19c: {  	_ =	swait.ge [sflag:s31], $0x1000  }
0x19d: {  	[sflag:s31] =	ssyncset.done $0x0  }
0x19e: {  	s2 =	sadd.s32 $0x1, s2;
	[sflag:s31] =	ssyncadd.s32 $0xFFFFF000  }
0x19f: {  	p0 =	sne.s32 s2, s17;
	_ =	swait.ge [sflag:s31], $0x1000  }
.Ltmp2:
0x1a0: {  	[sflag:s31] =	ssyncset.done $0x0;
	(pc) =	sbr.rel @p0 .LBB2_1-.Ltmp2, $4  }
0x1a1: {  	[sflag:s31] =	ssyncadd.s32 $0xFFFFF000  }
0x1a2: {  	_ =	swait.ge [sflag:s31], $0x1000  }
0x1a3: {  	[sflag:s31] =	ssyncset.done $0x0  }
0x1a4: {  	[sflag:s31] =	ssyncadd.s32 $0xFFFFF000  }
0x1a5: {  	_ =	sfence.sel $0x180000  }
0x1a6: {  	[bflag:$0x0] =	sbarrier.arrive $0xFFFF  }
0x1a7: {  	_ =	strace $0x90000047  }
0x1a8: {  	s0 =	stileid.u32;
	[bflag:$0x2] =	sbarrier.arrive $0xFFFF  }
0x1a9: {  	p0 =	sne.s32 s0, $0x0;
	s0 =	rddreg [dreg:$0x4]  }
0x1aa: {  	s0 =	sadd.s32 @!p0 $0x100000, s0  }
0x1ab: {  	[sflag:s0] =	ssyncadd.tile.s32 @!p0 $0x1;
	_ =	shalt  }
.Lfunc_end2:
_tile_overlayer_lowered:
.L_overlay_start_2:
0x1ac: {  	(tag) =	ssettag $0x2  }
0x1ad: {  	s0 =	rddreg [dreg:$0x0];
	s2 =	stileid.u32  }
0x1ae: {  	s1 =	rddreg [dreg:$0x1];
	p0 =	sne.s32 s2, $0x0  }
0x1af: {  	s3 =	rddreg [dreg:$0x2];
	[bflag:$0x3] =	sbarrier.arrive $0xFFFF;
	s2 =	simm.s32 @!p0 $0x1C05  }
0x1b0: {  	[timem:s3], [sflag:s2] =	dma.local @!p0 [hbm:s0], s1  }
0x1b1: {  	s0 =	simm.s32 @!p0 $0x5  }
0x1b2: {  	_ =	swait.ge @!p0 [sflag:s0], s1  }
0x1b3: {  	s1 =	ssub.s32 @!p0 $0x0, s1;
	[sflag:s0] =	ssyncset.done @!p0 $0x0  }
0x1b4: {  	[sflag:s0] =	ssyncadd.s32 @!p0 s1  }
0x1b5: {  	[bflag:$0x3] =	sbarrier.arrive $0xFFFF  }
0x1b6: {  	_ =	shalt  }

</sc_bundles>
